<compile_context>
chip_gen: v7x
topology: tpu7x:2x2x1
jax: 0.10.2.dev20260603
libtpu: 0.0.44.dev20260713+nightly
codegen_flags: <defaults>
</compile_context>

<pallas_src>
import jax
import jax.numpy as jnp
from jax import lax
from jax.experimental import pallas as pl
from jax.experimental.pallas import tpu as pltpu
from jax.experimental.pallas import tpu_sc as plsc

NUM_EXPERTS = 16
BATCH = 128
TOP_K = 2
D_STATE = 16
ROWS = 8192
BKT = BATCH * TOP_K

NC = 2
NS = 16
DT = D_STATE // NC
BK_PER_S = BKT // NS
LANES = 16


def _body(table_hbm, idx_hbm, out_hbm, idx16, shared, sem):
    c = lax.axis_index("c")
    s = lax.axis_index("s")

    pltpu.sync_copy(table_hbm.at[s, pl.ds(c * DT, DT)], shared.at[s])

    pltpu.sync_copy(idx_hbm.at[pl.ds(s * (BK_PER_S // TOP_K),
                                     BK_PER_S // TOP_K)], idx16)
    pv = lax.iota(jnp.int32, LANES)
    ids = plsc.load_gather(
        idx16, [jnp.right_shift(pv, 1), jnp.bitwise_and(pv, 1)])

    plsc.subcore_barrier()

    copies = []
    for j in range(BK_PER_S):
        b = s * (BK_PER_S // TOP_K) + j // TOP_K
        k = j % TOP_K
        copies.append(pltpu.async_copy(
            shared.at[ids[j]],
            out_hbm.at[b, k, pl.ds(c * DT, DT)],
            sem))
    for cp in copies:
        cp.wait()


@jax.jit
def _gather_sc(indices, table_t):
    kfn = pl.kernel(
        _body,
        out_type=jax.ShapeDtypeStruct((BATCH, TOP_K, D_STATE, ROWS),
                                      jnp.float32),
        mesh=plsc.VectorSubcoreMesh(
            core_axis_name="c", subcore_axis_name="s",
            num_cores=NC, num_subcores=NS),
        scratch_types=[
            pltpu.VMEM((BK_PER_S // TOP_K, TOP_K), jnp.int32),
            pltpu.VMEM_SHARED((NUM_EXPERTS, DT, ROWS), jnp.float32),
            pltpu.SemaphoreType.DMA,
        ],
        compiler_params=pltpu.CompilerParams(needs_layout_passes=False),
    )
    return kfn(table_t, indices)


def kernel(indices, A_experts):
    table_t = jnp.transpose(A_experts, (0, 2, 1))
    out_t = _gather_sc(indices.astype(jnp.int32), table_t)
    return jnp.transpose(out_t, (0, 1, 3, 2))

# --- scband reference (transcript-rebuilt; emitter-appended) ---
"""Pipeline reference for scband-a-logs-mo-eprojection-layer-15659450761992 (READ-ONLY COPY).

The authoritative reference and input builder live on the scoring server;
editing this copy changes nothing except your own understanding.
"""

import jax, jax.numpy as jnp
import numpy as np

NUM_EXPERTS = 16
TOP_K = 2
D_STATE = 16
INPUT_DIM = 2048
COPIES = 4
BATCH = 128


def _a_log_init(d_state, d_inner, copies):
    # repeat(arange(1, n+1), 'n -> d n', d=d_inner)
    A = jnp.broadcast_to(jnp.arange(1, d_state + 1, dtype=jnp.float32)[None, :], (d_inner, d_state))
    A_log = jnp.log(A)
    if copies > 0:
        A_log = jnp.broadcast_to(A_log[None, :, :], (copies, d_inner, d_state))
        A_log = A_log.reshape(copies * d_inner, d_state)  # merge=True
    return A_log


def setup_inputs(seed: int = 0) -> dict:
    key = jax.random.key(seed)
    indices = jax.random.randint(jax.random.fold_in(key, 0), (BATCH, TOP_K), 0, NUM_EXPERTS)
    # In torch, every expert's A_log has the identical deterministic init;
    # materialize as a stacked parameter tensor [E, copies*input_dim, d_state].
    A_log = _a_log_init(D_STATE, INPUT_DIM, COPIES)
    A_experts = jnp.stack([A_log for _ in range(NUM_EXPERTS)], axis=0)
    return {"indices": indices, "A_experts": A_experts}


def reference(indices, A_experts):
    # For each batch row, gather top_k expert parameter tensors and stack:
    # output shape [batch, top_k, copies*input_dim, d_state]
    return jnp.take(A_experts, indices, axis=0)

if __name__ == "__main__":
    import jax
    _d = setup_inputs()
    print(jax.jit(kernel)(*tuple(_d.values())))

</pallas_src>

<mosaic_0001>
#map = affine_map<(d0, d1) -> (0, 0, 0)>
#map1 = affine_map<(d0, d1) -> (0, 0)>
#map2 = affine_map<(d0, d1) -> (0, 0, 0, 0)>
module attributes {stable_mosaic.version = 14 : i64} {
  func.func @_body(%arg0: i32, %arg1: i32, %arg2: memref<16x16x8192xf32, #tpu.memory_space<hbm>>, %arg3: memref<128x2xi32, #tpu.memory_space<hbm>>, %arg4: memref<128x2x16x8192xf32, #tpu.memory_space<hbm>>, %arg5: memref<8x2xi32, #tpu.memory_space<vmem>>, %arg6: memref<16x8x8192xf32, #tpu.memory_space<vmem_shared>>, %arg7: memref<!tpu.dma_semaphore, #tpu.memory_space<semaphore_mem>>) attributes {dimension_semantics = [#tpu.dimension_semantics<core_parallel>, #tpu.dimension_semantics<subcore_parallel>], iteration_bounds = array<i64: 2, 16>, scalar_prefetch = 0 : i64, scratch_operands = 3 : i64, tpu.core_type = #tpu.core_type<sc_vector_subcore>, window_params = [{transform_indices = #map}, {transform_indices = #map1}, {transform_indices = #map2}]} {
    %mul3A = arith.constant 8 : i32
    %mul3A_0 = arith.muli %arg0, %mul3A : i32
    "tpu.region"() ({
      %run_scoped3A = tpu.sem_alloc : memref<!tpu.dma_semaphore, #tpu.memory_space<semaphore_mem>>
      %dma_start3A_386 = arith.constant 0 : i32
      %dma_start3A_387 = arith.constant 0 : i32
      %dma_start3A_388 = tpu.memref_slice %arg6[%arg1, %dma_start3A_386, %dma_start3A_387] : memref<16x8x8192xf32, #tpu.memory_space<vmem_shared>> -> memref<1x8x8192xf32, #tpu.memory_space<vmem_shared>>
      %dma_start3A_389 = tpu.memref_squeeze %dma_start3A_388 : memref<1x8x8192xf32, #tpu.memory_space<vmem_shared>> -> memref<8x8192xf32, #tpu.memory_space<vmem_shared>>
      %dma_start3A_390 = arith.constant 0 : i32
      %dma_start3A_391 = tpu.memref_slice %arg2[%arg1, %mul3A_0, %dma_start3A_390] : memref<16x16x8192xf32, #tpu.memory_space<hbm>> -> memref<1x8x8192xf32, #tpu.memory_space<hbm>>
      %dma_start3A_392 = tpu.memref_squeeze %dma_start3A_391 : memref<1x8x8192xf32, #tpu.memory_space<hbm>> -> memref<8x8192xf32, #tpu.memory_space<hbm>>
      tpu.enqueue_dma source(%dma_start3A_392 : memref<8x8192xf32, #tpu.memory_space<hbm>>) target(%dma_start3A_389 : memref<8x8192xf32, #tpu.memory_space<vmem_shared>>) target_semaphore(%run_scoped3A : memref<!tpu.dma_semaphore, #tpu.memory_space<semaphore_mem>>)
      %dma_wait3A_393 = arith.constant 0 : i32
      %dma_wait3A_394 = arith.constant 0 : i32
      %dma_wait3A_395 = tpu.memref_slice %arg6[%arg1, %dma_wait3A_393, %dma_wait3A_394] : memref<16x8x8192xf32, #tpu.memory_space<vmem_shared>> -> memref<1x8x8192xf32, #tpu.memory_space<vmem_shared>>
      %dma_wait3A_396 = tpu.memref_squeeze %dma_wait3A_395 : memref<1x8x8192xf32, #tpu.memory_space<vmem_shared>> -> memref<8x8192xf32, #tpu.memory_space<vmem_shared>>
      %dma_wait3A_397 = arith.constant 0 : i32
      %dma_wait3A_398 = tpu.memref_slice %arg2[%arg1, %mul3A_0, %dma_wait3A_397] : memref<16x16x8192xf32, #tpu.memory_space<hbm>> -> memref<1x8x8192xf32, #tpu.memory_space<hbm>>
      %dma_wait3A_399 = tpu.memref_squeeze %dma_wait3A_398 : memref<1x8x8192xf32, #tpu.memory_space<hbm>> -> memref<8x8192xf32, #tpu.memory_space<hbm>>
      tpu.wait_dma2 semaphore(%run_scoped3A : memref<!tpu.dma_semaphore, #tpu.memory_space<semaphore_mem>>) src(%dma_wait3A_399 : memref<8x8192xf32, #tpu.memory_space<hbm>>) dst(%dma_wait3A_396 : memref<8x8192xf32, #tpu.memory_space<vmem_shared>>)
      tpu.yield
    }) : () -> ()
    %mul3A_1 = arith.constant 8 : i32
    %mul3A_2 = arith.muli %arg1, %mul3A_1 : i32
    "tpu.region"() ({
      %run_scoped3A = tpu.sem_alloc : memref<!tpu.dma_semaphore, #tpu.memory_space<semaphore_mem>>
      %dma_start3A_386 = arith.constant 0 : i32
      %dma_start3A_387 = tpu.memref_slice %arg3[%mul3A_2, %dma_start3A_386] : memref<128x2xi32, #tpu.memory_space<hbm>> -> memref<8x2xi32, #tpu.memory_space<hbm>>
      %dma_start3A_388 = arith.constant 0 : i32
      %dma_start3A_389 = tpu.memref_slice %arg3[%mul3A_2, %dma_start3A_388] : memref<128x2xi32, #tpu.memory_space<hbm>> -> memref<8x2xi32, #tpu.memory_space<hbm>>
      tpu.enqueue_dma source(%dma_start3A_389 : memref<8x2xi32, #tpu.memory_space<hbm>>) target(%arg5 : memref<8x2xi32, #tpu.memory_space<vmem>>) target_semaphore(%run_scoped3A : memref<!tpu.dma_semaphore, #tpu.memory_space<semaphore_mem>>)
      %dma_wait3A_390 = arith.constant 0 : i32
      %dma_wait3A_391 = tpu.memref_slice %arg3[%mul3A_2, %dma_wait3A_390] : memref<128x2xi32, #tpu.memory_space<hbm>> -> memref<8x2xi32, #tpu.memory_space<hbm>>
      %dma_wait3A_392 = arith.constant 0 : i32
      %dma_wait3A_393 = tpu.memref_slice %arg3[%mul3A_2, %dma_wait3A_392] : memref<128x2xi32, #tpu.memory_space<hbm>> -> memref<8x2xi32, #tpu.memory_space<hbm>>
      tpu.wait_dma2 semaphore(%run_scoped3A : memref<!tpu.dma_semaphore, #tpu.memory_space<semaphore_mem>>) src(%dma_wait3A_393 : memref<8x2xi32, #tpu.memory_space<hbm>>) dst(%arg5 : memref<8x2xi32, #tpu.memory_space<vmem>>)
      tpu.yield
    }) : () -> ()
    %iota3A = tpu.iota {dimensions = array<i32: 0>} : vector<16xi32>
    %shift_right_arithmetic3A = arith.constant 1 : i32
    %shift_right_arithmetic3A_3 = vector.broadcast %shift_right_arithmetic3A : i32 to vector<16xi32>
    %shift_right_arithmetic3A_4 = arith.shrsi %iota3A, %shift_right_arithmetic3A_3 : vector<16xi32>
    %and3A = arith.constant 1 : i32
    %and3A_5 = vector.broadcast %and3A : i32 to vector<16xi32>
    %and3A_6 = arith.andi %iota3A, %and3A_5 : vector<16xi32>
    %gather3A = tpu.vector_load_idx %arg5[%shift_right_arithmetic3A_4, %and3A_6] : memref<8x2xi32, #tpu.memory_space<vmem>>[vector<16xi32>, vector<16xi32>], vector<16xi32>,
    %barrier3A = arith.constant 0 : index
    tpu.barrier barrier_id(%barrier3A)
    %mul3A_7 = arith.constant 8 : i32
    %mul3A_8 = arith.muli %arg1, %mul3A_7 : i32
    %add3A = arith.constant 0 : i32
    %add3A_9 = arith.addi %mul3A_8, %add3A : i32
    %slice3A = vector.extract_strided_slice %gather3A {offsets = [0], sizes = [1], strides = [1]} : vector<16xi32> to vector<1xi32>
    %squeeze3A = vector.extract %slice3A[0] : i32 from vector<1xi32>
    %mul3A_10 = arith.constant 8 : i32
    %mul3A_11 = arith.muli %arg0, %mul3A_10 : i32
    %dma_start3A = arith.constant 0 : i32
    %dma_start3A_12 = arith.constant 0 : i32
    %dma_start3A_13 = tpu.memref_slice %arg4[%add3A_9, %dma_start3A, %mul3A_11, %dma_start3A_12] : memref<128x2x16x8192xf32, #tpu.memory_space<hbm>> -> memref<1x1x8x8192xf32, #tpu.memory_space<hbm>>
    %dma_start3A_14 = tpu.memref_squeeze %dma_start3A_13 : memref<1x1x8x8192xf32, #tpu.memory_space<hbm>> -> memref<8x8192xf32, #tpu.memory_space<hbm>>
    %dma_start3A_15 = arith.constant 0 : i32
    %dma_start3A_16 = arith.constant 0 : i32
    %dma_start3A_17 = tpu.memref_slice %arg6[%squeeze3A, %dma_start3A_15, %dma_start3A_16] : memref<16x8x8192xf32, #tpu.memory_space<vmem_shared>> -> memref<1x8x8192xf32, #tpu.memory_space<vmem_shared>>
    %dma_start3A_18 = tpu.memref_squeeze %dma_start3A_17 : memref<1x8x8192xf32, #tpu.memory_space<vmem_shared>> -> memref<8x8192xf32, #tpu.memory_space<vmem_shared>>
    tpu.enqueue_dma source(%dma_start3A_18 : memref<8x8192xf32, #tpu.memory_space<vmem_shared>>) target(%dma_start3A_14 : memref<8x8192xf32, #tpu.memory_space<hbm>>) target_semaphore(%arg7 : memref<!tpu.dma_semaphore, #tpu.memory_space<semaphore_mem>>)
    %mul3A_19 = arith.constant 8 : i32
    %mul3A_20 = arith.muli %arg1, %mul3A_19 : i32
    %add3A_21 = arith.constant 0 : i32
    %add3A_22 = arith.addi %mul3A_20, %add3A_21 : i32
    %slice3A_23 = vector.extract_strided_slice %gather3A {offsets = [1], sizes = [1], strides = [1]} : vector<16xi32> to vector<1xi32>
    %squeeze3A_24 = vector.extract %slice3A_23[0] : i32 from vector<1xi32>
    %mul3A_25 = arith.constant 8 : i32
    %mul3A_26 = arith.muli %arg0, %mul3A_25 : i32
    %dma_start3A_27 = arith.constant 1 : i32
    %dma_start3A_28 = arith.constant 0 : i32
    %dma_start3A_29 = tpu.memref_slice %arg4[%add3A_22, %dma_start3A_27, %mul3A_26, %dma_start3A_28] : memref<128x2x16x8192xf32, #tpu.memory_space<hbm>> -> memref<1x1x8x8192xf32, #tpu.memory_space<hbm>>
    %dma_start3A_30 = tpu.memref_squeeze %dma_start3A_29 : memref<1x1x8x8192xf32, #tpu.memory_space<hbm>> -> memref<8x8192xf32, #tpu.memory_space<hbm>>
    %dma_start3A_31 = arith.constant 0 : i32
    %dma_start3A_32 = arith.constant 0 : i32
    %dma_start3A_33 = tpu.memref_slice %arg6[%squeeze3A_24, %dma_start3A_31, %dma_start3A_32] : memref<16x8x8192xf32, #tpu.memory_space<vmem_shared>> -> memref<1x8x8192xf32, #tpu.memory_space<vmem_shared>>
    %dma_start3A_34 = tpu.memref_squeeze %dma_start3A_33 : memref<1x8x8192xf32, #tpu.memory_space<vmem_shared>> -> memref<8x8192xf32, #tpu.memory_space<vmem_shared>>
    tpu.enqueue_dma source(%dma_start3A_34 : memref<8x8192xf32, #tpu.memory_space<vmem_shared>>) target(%dma_start3A_30 : memref<8x8192xf32, #tpu.memory_space<hbm>>) target_semaphore(%arg7 : memref<!tpu.dma_semaphore, #tpu.memory_space<semaphore_mem>>)
    %mul3A_35 = arith.constant 8 : i32
    %mul3A_36 = arith.muli %arg1, %mul3A_35 : i32
    %add3A_37 = arith.constant 1 : i32
    %add3A_38 = arith.addi %mul3A_36, %add3A_37 : i32
    %slice3A_39 = vector.extract_strided_slice %gather3A {offsets = [2], sizes = [1], strides = [1]} : vector<16xi32> to vector<1xi32>
    %squeeze3A_40 = vector.extract %slice3A_39[0] : i32 from vector<1xi32>
    %mul3A_41 = arith.constant 8 : i32
    %mul3A_42 = arith.muli %arg0, %mul3A_41 : i32
    %dma_start3A_43 = arith.constant 0 : i32
    %dma_start3A_44 = arith.constant 0 : i32
    %dma_start3A_45 = tpu.memref_slice %arg4[%add3A_38, %dma_start3A_43, %mul3A_42, %dma_start3A_44] : memref<128x2x16x8192xf32, #tpu.memory_space<hbm>> -> memref<1x1x8x8192xf32, #tpu.memory_space<hbm>>
    %dma_start3A_46 = tpu.memref_squeeze %dma_start3A_45 : memref<1x1x8x8192xf32, #tpu.memory_space<hbm>> -> memref<8x8192xf32, #tpu.memory_space<hbm>>
    %dma_start3A_47 = arith.constant 0 : i32
    %dma_start3A_48 = arith.constant 0 : i32
    %dma_start3A_49 = tpu.memref_slice %arg6[%squeeze3A_40, %dma_start3A_47, %dma_start3A_48] : memref<16x8x8192xf32, #tpu.memory_space<vmem_shared>> -> memref<1x8x8192xf32, #tpu.memory_space<vmem_shared>>
    %dma_start3A_50 = tpu.memref_squeeze %dma_start3A_49 : memref<1x8x8192xf32, #tpu.memory_space<vmem_shared>> -> memref<8x8192xf32, #tpu.memory_space<vmem_shared>>
    tpu.enqueue_dma source(%dma_start3A_50 : memref<8x8192xf32, #tpu.memory_space<vmem_shared>>) target(%dma_start3A_46 : memref<8x8192xf32, #tpu.memory_space<hbm>>) target_semaphore(%arg7 : memref<!tpu.dma_semaphore, #tpu.memory_space<semaphore_mem>>)
    %mul3A_51 = arith.constant 8 : i32
    %mul3A_52 = arith.muli %arg1, %mul3A_51 : i32
    %add3A_53 = arith.constant 1 : i32
    %add3A_54 = arith.addi %mul3A_52, %add3A_53 : i32
    %slice3A_55 = vector.extract_strided_slice %gather3A {offsets = [3], sizes = [1], strides = [1]} : vector<16xi32> to vector<1xi32>
    %squeeze3A_56 = vector.extract %slice3A_55[0] : i32 from vector<1xi32>
    %mul3A_57 = arith.constant 8 : i32
    %mul3A_58 = arith.muli %arg0, %mul3A_57 : i32
    %dma_start3A_59 = arith.constant 1 : i32
    %dma_start3A_60 = arith.constant 0 : i32
    %dma_start3A_61 = tpu.memref_slice %arg4[%add3A_54, %dma_start3A_59, %mul3A_58, %dma_start3A_60] : memref<128x2x16x8192xf32, #tpu.memory_space<hbm>> -> memref<1x1x8x8192xf32, #tpu.memory_space<hbm>>
    %dma_start3A_62 = tpu.memref_squeeze %dma_start3A_61 : memref<1x1x8x8192xf32, #tpu.memory_space<hbm>> -> memref<8x8192xf32, #tpu.memory_space<hbm>>
    %dma_start3A_63 = arith.constant 0 : i32
    %dma_start3A_64 = arith.constant 0 : i32
    %dma_start3A_65 = tpu.memref_slice %arg6[%squeeze3A_56, %dma_start3A_63, %dma_start3A_64] : memref<16x8x8192xf32, #tpu.memory_space<vmem_shared>> -> memref<1x8x8192xf32, #tpu.memory_space<vmem_shared>>
    %dma_start3A_66 = tpu.memref_squeeze %dma_start3A_65 : memref<1x8x8192xf32, #tpu.memory_space<vmem_shared>> -> memref<8x8192xf32, #tpu.memory_space<vmem_shared>>
    tpu.enqueue_dma source(%dma_start3A_66 : memref<8x8192xf32, #tpu.memory_space<vmem_shared>>) target(%dma_start3A_62 : memref<8x8192xf32, #tpu.memory_space<hbm>>) target_semaphore(%arg7 : memref<!tpu.dma_semaphore, #tpu.memory_space<semaphore_mem>>)
    %mul3A_67 = arith.constant 8 : i32
    %mul3A_68 = arith.muli %arg1, %mul3A_67 : i32
    %add3A_69 = arith.constant 2 : i32
    %add3A_70 = arith.addi %mul3A_68, %add3A_69 : i32
    %slice3A_71 = vector.extract_strided_slice %gather3A {offsets = [4], sizes = [1], strides = [1]} : vector<16xi32> to vector<1xi32>
    %squeeze3A_72 = vector.extract %slice3A_71[0] : i32 from vector<1xi32>
    %mul3A_73 = arith.constant 8 : i32
    %mul3A_74 = arith.muli %arg0, %mul3A_73 : i32
    %dma_start3A_75 = arith.constant 0 : i32
    %dma_start3A_76 = arith.constant 0 : i32
    %dma_start3A_77 = tpu.memref_slice %arg4[%add3A_70, %dma_start3A_75, %mul3A_74, %dma_start3A_76] : memref<128x2x16x8192xf32, #tpu.memory_space<hbm>> -> memref<1x1x8x8192xf32, #tpu.memory_space<hbm>>
    %dma_start3A_78 = tpu.memref_squeeze %dma_start3A_77 : memref<1x1x8x8192xf32, #tpu.memory_space<hbm>> -> memref<8x8192xf32, #tpu.memory_space<hbm>>
    %dma_start3A_79 = arith.constant 0 : i32
    %dma_start3A_80 = arith.constant 0 : i32
    %dma_start3A_81 = tpu.memref_slice %arg6[%squeeze3A_72, %dma_start3A_79, %dma_start3A_80] : memref<16x8x8192xf32, #tpu.memory_space<vmem_shared>> -> memref<1x8x8192xf32, #tpu.memory_space<vmem_shared>>
    %dma_start3A_82 = tpu.memref_squeeze %dma_start3A_81 : memref<1x8x8192xf32, #tpu.memory_space<vmem_shared>> -> memref<8x8192xf32, #tpu.memory_space<vmem_shared>>
    tpu.enqueue_dma source(%dma_start3A_82 : memref<8x8192xf32, #tpu.memory_space<vmem_shared>>) target(%dma_start3A_78 : memref<8x8192xf32, #tpu.memory_space<hbm>>) target_semaphore(%arg7 : memref<!tpu.dma_semaphore, #tpu.memory_space<semaphore_mem>>)
    %mul3A_83 = arith.constant 8 : i32
    %mul3A_84 = arith.muli %arg1, %mul3A_83 : i32
    %add3A_85 = arith.constant 2 : i32
    %add3A_86 = arith.addi %mul3A_84, %add3A_85 : i32
    %slice3A_87 = vector.extract_strided_slice %gather3A {offsets = [5], sizes = [1], strides = [1]} : vector<16xi32> to vector<1xi32>
    %squeeze3A_88 = vector.extract %slice3A_87[0] : i32 from vector<1xi32>
    %mul3A_89 = arith.constant 8 : i32
    %mul3A_90 = arith.muli %arg0, %mul3A_89 : i32
    %dma_start3A_91 = arith.constant 1 : i32
    %dma_start3A_92 = arith.constant 0 : i32
    %dma_start3A_93 = tpu.memref_slice %arg4[%add3A_86, %dma_start3A_91, %mul3A_90, %dma_start3A_92] : memref<128x2x16x8192xf32, #tpu.memory_space<hbm>> -> memref<1x1x8x8192xf32, #tpu.memory_space<hbm>>
    %dma_start3A_94 = tpu.memref_squeeze %dma_start3A_93 : memref<1x1x8x8192xf32, #tpu.memory_space<hbm>> -> memref<8x8192xf32, #tpu.memory_space<hbm>>
    %dma_start3A_95 = arith.constant 0 : i32
    %dma_start3A_96 = arith.constant 0 : i32
    %dma_start3A_97 = tpu.memref_slice %arg6[%squeeze3A_88, %dma_start3A_95, %dma_start3A_96] : memref<16x8x8192xf32, #tpu.memory_space<vmem_shared>> -> memref<1x8x8192xf32, #tpu.memory_space<vmem_shared>>
    %dma_start3A_98 = tpu.memref_squeeze %dma_start3A_97 : memref<1x8x8192xf32, #tpu.memory_space<vmem_shared>> -> memref<8x8192xf32, #tpu.memory_space<vmem_shared>>
    tpu.enqueue_dma source(%dma_start3A_98 : memref<8x8192xf32, #tpu.memory_space<vmem_shared>>) target(%dma_start3A_94 : memref<8x8192xf32, #tpu.memory_space<hbm>>) target_semaphore(%arg7 : memref<!tpu.dma_semaphore, #tpu.memory_space<semaphore_mem>>)
    %mul3A_99 = arith.constant 8 : i32
    %mul3A_100 = arith.muli %arg1, %mul3A_99 : i32
    %add3A_101 = arith.constant 3 : i32
    %add3A_102 = arith.addi %mul3A_100, %add3A_101 : i32
    %slice3A_103 = vector.extract_strided_slice %gather3A {offsets = [6], sizes = [1], strides = [1]} : vector<16xi32> to vector<1xi32>
    %squeeze3A_104 = vector.extract %slice3A_103[0] : i32 from vector<1xi32>
    %mul3A_105 = arith.constant 8 : i32
    %mul3A_106 = arith.muli %arg0, %mul3A_105 : i32
    %dma_start3A_107 = arith.constant 0 : i32
    %dma_start3A_108 = arith.constant 0 : i32
    %dma_start3A_109 = tpu.memref_slice %arg4[%add3A_102, %dma_start3A_107, %mul3A_106, %dma_start3A_108] : memref<128x2x16x8192xf32, #tpu.memory_space<hbm>> -> memref<1x1x8x8192xf32, #tpu.memory_space<hbm>>
    %dma_start3A_110 = tpu.memref_squeeze %dma_start3A_109 : memref<1x1x8x8192xf32, #tpu.memory_space<hbm>> -> memref<8x8192xf32, #tpu.memory_space<hbm>>
    %dma_start3A_111 = arith.constant 0 : i32
    %dma_start3A_112 = arith.constant 0 : i32
    %dma_start3A_113 = tpu.memref_slice %arg6[%squeeze3A_104, %dma_start3A_111, %dma_start3A_112] : memref<16x8x8192xf32, #tpu.memory_space<vmem_shared>> -> memref<1x8x8192xf32, #tpu.memory_space<vmem_shared>>
    %dma_start3A_114 = tpu.memref_squeeze %dma_start3A_113 : memref<1x8x8192xf32, #tpu.memory_space<vmem_shared>> -> memref<8x8192xf32, #tpu.memory_space<vmem_shared>>
    tpu.enqueue_dma source(%dma_start3A_114 : memref<8x8192xf32, #tpu.memory_space<vmem_shared>>) target(%dma_start3A_110 : memref<8x8192xf32, #tpu.memory_space<hbm>>) target_semaphore(%arg7 : memref<!tpu.dma_semaphore, #tpu.memory_space<semaphore_mem>>)
    %mul3A_115 = arith.constant 8 : i32
    %mul3A_116 = arith.muli %arg1, %mul3A_115 : i32
    %add3A_117 = arith.constant 3 : i32
    %add3A_118 = arith.addi %mul3A_116, %add3A_117 : i32
    %slice3A_119 = vector.extract_strided_slice %gather3A {offsets = [7], sizes = [1], strides = [1]} : vector<16xi32> to vector<1xi32>
    %squeeze3A_120 = vector.extract %slice3A_119[0] : i32 from vector<1xi32>
    %mul3A_121 = arith.constant 8 : i32
    %mul3A_122 = arith.muli %arg0, %mul3A_121 : i32
    %dma_start3A_123 = arith.constant 1 : i32
    %dma_start3A_124 = arith.constant 0 : i32
    %dma_start3A_125 = tpu.memref_slice %arg4[%add3A_118, %dma_start3A_123, %mul3A_122, %dma_start3A_124] : memref<128x2x16x8192xf32, #tpu.memory_space<hbm>> -> memref<1x1x8x8192xf32, #tpu.memory_space<hbm>>
    %dma_start3A_126 = tpu.memref_squeeze %dma_start3A_125 : memref<1x1x8x8192xf32, #tpu.memory_space<hbm>> -> memref<8x8192xf32, #tpu.memory_space<hbm>>
    %dma_start3A_127 = arith.constant 0 : i32
    %dma_start3A_128 = arith.constant 0 : i32
    %dma_start3A_129 = tpu.memref_slice %arg6[%squeeze3A_120, %dma_start3A_127, %dma_start3A_128] : memref<16x8x8192xf32, #tpu.memory_space<vmem_shared>> -> memref<1x8x8192xf32, #tpu.memory_space<vmem_shared>>
    %dma_start3A_130 = tpu.memref_squeeze %dma_start3A_129 : memref<1x8x8192xf32, #tpu.memory_space<vmem_shared>> -> memref<8x8192xf32, #tpu.memory_space<vmem_shared>>
    tpu.enqueue_dma source(%dma_start3A_130 : memref<8x8192xf32, #tpu.memory_space<vmem_shared>>) target(%dma_start3A_126 : memref<8x8192xf32, #tpu.memory_space<hbm>>) target_semaphore(%arg7 : memref<!tpu.dma_semaphore, #tpu.memory_space<semaphore_mem>>)
    %mul3A_131 = arith.constant 8 : i32
    %mul3A_132 = arith.muli %arg1, %mul3A_131 : i32
    %add3A_133 = arith.constant 4 : i32
    %add3A_134 = arith.addi %mul3A_132, %add3A_133 : i32
    %slice3A_135 = vector.extract_strided_slice %gather3A {offsets = [8], sizes = [1], strides = [1]} : vector<16xi32> to vector<1xi32>
    %squeeze3A_136 = vector.extract %slice3A_135[0] : i32 from vector<1xi32>
    %mul3A_137 = arith.constant 8 : i32
    %mul3A_138 = arith.muli %arg0, %mul3A_137 : i32
    %dma_start3A_139 = arith.constant 0 : i32
    %dma_start3A_140 = arith.constant 0 : i32
    %dma_start3A_141 = tpu.memref_slice %arg4[%add3A_134, %dma_start3A_139, %mul3A_138, %dma_start3A_140] : memref<128x2x16x8192xf32, #tpu.memory_space<hbm>> -> memref<1x1x8x8192xf32, #tpu.memory_space<hbm>>
    %dma_start3A_142 = tpu.memref_squeeze %dma_start3A_141 : memref<1x1x8x8192xf32, #tpu.memory_space<hbm>> -> memref<8x8192xf32, #tpu.memory_space<hbm>>
    %dma_start3A_143 = arith.constant 0 : i32
    %dma_start3A_144 = arith.constant 0 : i32
    %dma_start3A_145 = tpu.memref_slice %arg6[%squeeze3A_136, %dma_start3A_143, %dma_start3A_144] : memref<16x8x8192xf32, #tpu.memory_space<vmem_shared>> -> memref<1x8x8192xf32, #tpu.memory_space<vmem_shared>>
    %dma_start3A_146 = tpu.memref_squeeze %dma_start3A_145 : memref<1x8x8192xf32, #tpu.memory_space<vmem_shared>> -> memref<8x8192xf32, #tpu.memory_space<vmem_shared>>
    tpu.enqueue_dma source(%dma_start3A_146 : memref<8x8192xf32, #tpu.memory_space<vmem_shared>>) target(%dma_start3A_142 : memref<8x8192xf32, #tpu.memory_space<hbm>>) target_semaphore(%arg7 : memref<!tpu.dma_semaphore, #tpu.memory_space<semaphore_mem>>)
    %mul3A_147 = arith.constant 8 : i32
    %mul3A_148 = arith.muli %arg1, %mul3A_147 : i32
    %add3A_149 = arith.constant 4 : i32
    %add3A_150 = arith.addi %mul3A_148, %add3A_149 : i32
    %slice3A_151 = vector.extract_strided_slice %gather3A {offsets = [9], sizes = [1], strides = [1]} : vector<16xi32> to vector<1xi32>
    %squeeze3A_152 = vector.extract %slice3A_151[0] : i32 from vector<1xi32>
    %mul3A_153 = arith.constant 8 : i32
    %mul3A_154 = arith.muli %arg0, %mul3A_153 : i32
    %dma_start3A_155 = arith.constant 1 : i32
    %dma_start3A_156 = arith.constant 0 : i32
    %dma_start3A_157 = tpu.memref_slice %arg4[%add3A_150, %dma_start3A_155, %mul3A_154, %dma_start3A_156] : memref<128x2x16x8192xf32, #tpu.memory_space<hbm>> -> memref<1x1x8x8192xf32, #tpu.memory_space<hbm>>
    %dma_start3A_158 = tpu.memref_squeeze %dma_start3A_157 : memref<1x1x8x8192xf32, #tpu.memory_space<hbm>> -> memref<8x8192xf32, #tpu.memory_space<hbm>>
    %dma_start3A_159 = arith.constant 0 : i32
    %dma_start3A_160 = arith.constant 0 : i32
    %dma_start3A_161 = tpu.memref_slice %arg6[%squeeze3A_152, %dma_start3A_159, %dma_start3A_160] : memref<16x8x8192xf32, #tpu.memory_space<vmem_shared>> -> memref<1x8x8192xf32, #tpu.memory_space<vmem_shared>>
    %dma_start3A_162 = tpu.memref_squeeze %dma_start3A_161 : memref<1x8x8192xf32, #tpu.memory_space<vmem_shared>> -> memref<8x8192xf32, #tpu.memory_space<vmem_shared>>
    tpu.enqueue_dma source(%dma_start3A_162 : memref<8x8192xf32, #tpu.memory_space<vmem_shared>>) target(%dma_start3A_158 : memref<8x8192xf32, #tpu.memory_space<hbm>>) target_semaphore(%arg7 : memref<!tpu.dma_semaphore, #tpu.memory_space<semaphore_mem>>)
    %mul3A_163 = arith.constant 8 : i32
    %mul3A_164 = arith.muli %arg1, %mul3A_163 : i32
    %add3A_165 = arith.constant 5 : i32
    %add3A_166 = arith.addi %mul3A_164, %add3A_165 : i32
    %slice3A_167 = vector.extract_strided_slice %gather3A {offsets = [10], sizes = [1], strides = [1]} : vector<16xi32> to vector<1xi32>
    %squeeze3A_168 = vector.extract %slice3A_167[0] : i32 from vector<1xi32>
    %mul3A_169 = arith.constant 8 : i32
    %mul3A_170 = arith.muli %arg0, %mul3A_169 : i32
    %dma_start3A_171 = arith.constant 0 : i32
    %dma_start3A_172 = arith.constant 0 : i32
    %dma_start3A_173 = tpu.memref_slice %arg4[%add3A_166, %dma_start3A_171, %mul3A_170, %dma_start3A_172] : memref<128x2x16x8192xf32, #tpu.memory_space<hbm>> -> memref<1x1x8x8192xf32, #tpu.memory_space<hbm>>
    %dma_start3A_174 = tpu.memref_squeeze %dma_start3A_173 : memref<1x1x8x8192xf32, #tpu.memory_space<hbm>> -> memref<8x8192xf32, #tpu.memory_space<hbm>>
    %dma_start3A_175 = arith.constant 0 : i32
    %dma_start3A_176 = arith.constant 0 : i32
    %dma_start3A_177 = tpu.memref_slice %arg6[%squeeze3A_168, %dma_start3A_175, %dma_start3A_176] : memref<16x8x8192xf32, #tpu.memory_space<vmem_shared>> -> memref<1x8x8192xf32, #tpu.memory_space<vmem_shared>>
    %dma_start3A_178 = tpu.memref_squeeze %dma_start3A_177 : memref<1x8x8192xf32, #tpu.memory_space<vmem_shared>> -> memref<8x8192xf32, #tpu.memory_space<vmem_shared>>
    tpu.enqueue_dma source(%dma_start3A_178 : memref<8x8192xf32, #tpu.memory_space<vmem_shared>>) target(%dma_start3A_174 : memref<8x8192xf32, #tpu.memory_space<hbm>>) target_semaphore(%arg7 : memref<!tpu.dma_semaphore, #tpu.memory_space<semaphore_mem>>)
    %mul3A_179 = arith.constant 8 : i32
    %mul3A_180 = arith.muli %arg1, %mul3A_179 : i32
    %add3A_181 = arith.constant 5 : i32
    %add3A_182 = arith.addi %mul3A_180, %add3A_181 : i32
    %slice3A_183 = vector.extract_strided_slice %gather3A {offsets = [11], sizes = [1], strides = [1]} : vector<16xi32> to vector<1xi32>
    %squeeze3A_184 = vector.extract %slice3A_183[0] : i32 from vector<1xi32>
    %mul3A_185 = arith.constant 8 : i32
    %mul3A_186 = arith.muli %arg0, %mul3A_185 : i32
    %dma_start3A_187 = arith.constant 1 : i32
    %dma_start3A_188 = arith.constant 0 : i32
    %dma_start3A_189 = tpu.memref_slice %arg4[%add3A_182, %dma_start3A_187, %mul3A_186, %dma_start3A_188] : memref<128x2x16x8192xf32, #tpu.memory_space<hbm>> -> memref<1x1x8x8192xf32, #tpu.memory_space<hbm>>
    %dma_start3A_190 = tpu.memref_squeeze %dma_start3A_189 : memref<1x1x8x8192xf32, #tpu.memory_space<hbm>> -> memref<8x8192xf32, #tpu.memory_space<hbm>>
    %dma_start3A_191 = arith.constant 0 : i32
    %dma_start3A_192 = arith.constant 0 : i32
    %dma_start3A_193 = tpu.memref_slice %arg6[%squeeze3A_184, %dma_start3A_191, %dma_start3A_192] : memref<16x8x8192xf32, #tpu.memory_space<vmem_shared>> -> memref<1x8x8192xf32, #tpu.memory_space<vmem_shared>>
    %dma_start3A_194 = tpu.memref_squeeze %dma_start3A_193 : memref<1x8x8192xf32, #tpu.memory_space<vmem_shared>> -> memref<8x8192xf32, #tpu.memory_space<vmem_shared>>
    tpu.enqueue_dma source(%dma_start3A_194 : memref<8x8192xf32, #tpu.memory_space<vmem_shared>>) target(%dma_start3A_190 : memref<8x8192xf32, #tpu.memory_space<hbm>>) target_semaphore(%arg7 : memref<!tpu.dma_semaphore, #tpu.memory_space<semaphore_mem>>)
    %mul3A_195 = arith.constant 8 : i32
    %mul3A_196 = arith.muli %arg1, %mul3A_195 : i32
    %add3A_197 = arith.constant 6 : i32
    %add3A_198 = arith.addi %mul3A_196, %add3A_197 : i32
    %slice3A_199 = vector.extract_strided_slice %gather3A {offsets = [12], sizes = [1], strides = [1]} : vector<16xi32> to vector<1xi32>
    %squeeze3A_200 = vector.extract %slice3A_199[0] : i32 from vector<1xi32>
    %mul3A_201 = arith.constant 8 : i32
    %mul3A_202 = arith.muli %arg0, %mul3A_201 : i32
    %dma_start3A_203 = arith.constant 0 : i32
    %dma_start3A_204 = arith.constant 0 : i32
    %dma_start3A_205 = tpu.memref_slice %arg4[%add3A_198, %dma_start3A_203, %mul3A_202, %dma_start3A_204] : memref<128x2x16x8192xf32, #tpu.memory_space<hbm>> -> memref<1x1x8x8192xf32, #tpu.memory_space<hbm>>
    %dma_start3A_206 = tpu.memref_squeeze %dma_start3A_205 : memref<1x1x8x8192xf32, #tpu.memory_space<hbm>> -> memref<8x8192xf32, #tpu.memory_space<hbm>>
    %dma_start3A_207 = arith.constant 0 : i32
    %dma_start3A_208 = arith.constant 0 : i32
    %dma_start3A_209 = tpu.memref_slice %arg6[%squeeze3A_200, %dma_start3A_207, %dma_start3A_208] : memref<16x8x8192xf32, #tpu.memory_space<vmem_shared>> -> memref<1x8x8192xf32, #tpu.memory_space<vmem_shared>>
    %dma_start3A_210 = tpu.memref_squeeze %dma_start3A_209 : memref<1x8x8192xf32, #tpu.memory_space<vmem_shared>> -> memref<8x8192xf32, #tpu.memory_space<vmem_shared>>
    tpu.enqueue_dma source(%dma_start3A_210 : memref<8x8192xf32, #tpu.memory_space<vmem_shared>>) target(%dma_start3A_206 : memref<8x8192xf32, #tpu.memory_space<hbm>>) target_semaphore(%arg7 : memref<!tpu.dma_semaphore, #tpu.memory_space<semaphore_mem>>)
    %mul3A_211 = arith.constant 8 : i32
    %mul3A_212 = arith.muli %arg1, %mul3A_211 : i32
    %add3A_213 = arith.constant 6 : i32
    %add3A_214 = arith.addi %mul3A_212, %add3A_213 : i32
    %slice3A_215 = vector.extract_strided_slice %gather3A {offsets = [13], sizes = [1], strides = [1]} : vector<16xi32> to vector<1xi32>
    %squeeze3A_216 = vector.extract %slice3A_215[0] : i32 from vector<1xi32>
    %mul3A_217 = arith.constant 8 : i32
    %mul3A_218 = arith.muli %arg0, %mul3A_217 : i32
    %dma_start3A_219 = arith.constant 1 : i32
    %dma_start3A_220 = arith.constant 0 : i32
    %dma_start3A_221 = tpu.memref_slice %arg4[%add3A_214, %dma_start3A_219, %mul3A_218, %dma_start3A_220] : memref<128x2x16x8192xf32, #tpu.memory_space<hbm>> -> memref<1x1x8x8192xf32, #tpu.memory_space<hbm>>
    %dma_start3A_222 = tpu.memref_squeeze %dma_start3A_221 : memref<1x1x8x8192xf32, #tpu.memory_space<hbm>> -> memref<8x8192xf32, #tpu.memory_space<hbm>>
    %dma_start3A_223 = arith.constant 0 : i32
    %dma_start3A_224 = arith.constant 0 : i32
    %dma_start3A_225 = tpu.memref_slice %arg6[%squeeze3A_216, %dma_start3A_223, %dma_start3A_224] : memref<16x8x8192xf32, #tpu.memory_space<vmem_shared>> -> memref<1x8x8192xf32, #tpu.memory_space<vmem_shared>>
    %dma_start3A_226 = tpu.memref_squeeze %dma_start3A_225 : memref<1x8x8192xf32, #tpu.memory_space<vmem_shared>> -> memref<8x8192xf32, #tpu.memory_space<vmem_shared>>
    tpu.enqueue_dma source(%dma_start3A_226 : memref<8x8192xf32, #tpu.memory_space<vmem_shared>>) target(%dma_start3A_222 : memref<8x8192xf32, #tpu.memory_space<hbm>>) target_semaphore(%arg7 : memref<!tpu.dma_semaphore, #tpu.memory_space<semaphore_mem>>)
    %mul3A_227 = arith.constant 8 : i32
    %mul3A_228 = arith.muli %arg1, %mul3A_227 : i32
    %add3A_229 = arith.constant 7 : i32
    %add3A_230 = arith.addi %mul3A_228, %add3A_229 : i32
    %slice3A_231 = vector.extract_strided_slice %gather3A {offsets = [14], sizes = [1], strides = [1]} : vector<16xi32> to vector<1xi32>
    %squeeze3A_232 = vector.extract %slice3A_231[0] : i32 from vector<1xi32>
    %mul3A_233 = arith.constant 8 : i32
    %mul3A_234 = arith.muli %arg0, %mul3A_233 : i32
    %dma_start3A_235 = arith.constant 0 : i32
    %dma_start3A_236 = arith.constant 0 : i32
    %dma_start3A_237 = tpu.memref_slice %arg4[%add3A_230, %dma_start3A_235, %mul3A_234, %dma_start3A_236] : memref<128x2x16x8192xf32, #tpu.memory_space<hbm>> -> memref<1x1x8x8192xf32, #tpu.memory_space<hbm>>
    %dma_start3A_238 = tpu.memref_squeeze %dma_start3A_237 : memref<1x1x8x8192xf32, #tpu.memory_space<hbm>> -> memref<8x8192xf32, #tpu.memory_space<hbm>>
    %dma_start3A_239 = arith.constant 0 : i32
    %dma_start3A_240 = arith.constant 0 : i32
    %dma_start3A_241 = tpu.memref_slice %arg6[%squeeze3A_232, %dma_start3A_239, %dma_start3A_240] : memref<16x8x8192xf32, #tpu.memory_space<vmem_shared>> -> memref<1x8x8192xf32, #tpu.memory_space<vmem_shared>>
    %dma_start3A_242 = tpu.memref_squeeze %dma_start3A_241 : memref<1x8x8192xf32, #tpu.memory_space<vmem_shared>> -> memref<8x8192xf32, #tpu.memory_space<vmem_shared>>
    tpu.enqueue_dma source(%dma_start3A_242 : memref<8x8192xf32, #tpu.memory_space<vmem_shared>>) target(%dma_start3A_238 : memref<8x8192xf32, #tpu.memory_space<hbm>>) target_semaphore(%arg7 : memref<!tpu.dma_semaphore, #tpu.memory_space<semaphore_mem>>)
    %mul3A_243 = arith.constant 8 : i32
    %mul3A_244 = arith.muli %arg1, %mul3A_243 : i32
    %add3A_245 = arith.constant 7 : i32
    %add3A_246 = arith.addi %mul3A_244, %add3A_245 : i32
    %slice3A_247 = vector.extract_strided_slice %gather3A {offsets = [15], sizes = [1], strides = [1]} : vector<16xi32> to vector<1xi32>
    %squeeze3A_248 = vector.extract %slice3A_247[0] : i32 from vector<1xi32>
    %mul3A_249 = arith.constant 8 : i32
    %mul3A_250 = arith.muli %arg0, %mul3A_249 : i32
    %dma_start3A_251 = arith.constant 1 : i32
    %dma_start3A_252 = arith.constant 0 : i32
    %dma_start3A_253 = tpu.memref_slice %arg4[%add3A_246, %dma_start3A_251, %mul3A_250, %dma_start3A_252] : memref<128x2x16x8192xf32, #tpu.memory_space<hbm>> -> memref<1x1x8x8192xf32, #tpu.memory_space<hbm>>
    %dma_start3A_254 = tpu.memref_squeeze %dma_start3A_253 : memref<1x1x8x8192xf32, #tpu.memory_space<hbm>> -> memref<8x8192xf32, #tpu.memory_space<hbm>>
    %dma_start3A_255 = arith.constant 0 : i32
    %dma_start3A_256 = arith.constant 0 : i32
    %dma_start3A_257 = tpu.memref_slice %arg6[%squeeze3A_248, %dma_start3A_255, %dma_start3A_256] : memref<16x8x8192xf32, #tpu.memory_space<vmem_shared>> -> memref<1x8x8192xf32, #tpu.memory_space<vmem_shared>>
    %dma_start3A_258 = tpu.memref_squeeze %dma_start3A_257 : memref<1x8x8192xf32, #tpu.memory_space<vmem_shared>> -> memref<8x8192xf32, #tpu.memory_space<vmem_shared>>
    tpu.enqueue_dma source(%dma_start3A_258 : memref<8x8192xf32, #tpu.memory_space<vmem_shared>>) target(%dma_start3A_254 : memref<8x8192xf32, #tpu.memory_space<hbm>>) target_semaphore(%arg7 : memref<!tpu.dma_semaphore, #tpu.memory_space<semaphore_mem>>)
    %dma_wait3A = arith.constant 0 : i32
    %dma_wait3A_259 = arith.constant 0 : i32
    %dma_wait3A_260 = tpu.memref_slice %arg4[%add3A_9, %dma_wait3A, %mul3A_11, %dma_wait3A_259] : memref<128x2x16x8192xf32, #tpu.memory_space<hbm>> -> memref<1x1x8x8192xf32, #tpu.memory_space<hbm>>
    %dma_wait3A_261 = tpu.memref_squeeze %dma_wait3A_260 : memref<1x1x8x8192xf32, #tpu.memory_space<hbm>> -> memref<8x8192xf32, #tpu.memory_space<hbm>>
    %dma_wait3A_262 = arith.constant 0 : i32
    %dma_wait3A_263 = arith.constant 0 : i32
    %dma_wait3A_264 = tpu.memref_slice %arg6[%squeeze3A, %dma_wait3A_262, %dma_wait3A_263] : memref<16x8x8192xf32, #tpu.memory_space<vmem_shared>> -> memref<1x8x8192xf32, #tpu.memory_space<vmem_shared>>
    %dma_wait3A_265 = tpu.memref_squeeze %dma_wait3A_264 : memref<1x8x8192xf32, #tpu.memory_space<vmem_shared>> -> memref<8x8192xf32, #tpu.memory_space<vmem_shared>>
    tpu.wait_dma2 semaphore(%arg7 : memref<!tpu.dma_semaphore, #tpu.memory_space<semaphore_mem>>) src(%dma_wait3A_265 : memref<8x8192xf32, #tpu.memory_space<vmem_shared>>) dst(%dma_wait3A_261 : memref<8x8192xf32, #tpu.memory_space<hbm>>)
    %dma_wait3A_266 = arith.constant 1 : i32
    %dma_wait3A_267 = arith.constant 0 : i32
    %dma_wait3A_268 = tpu.memref_slice %arg4[%add3A_22, %dma_wait3A_266, %mul3A_26, %dma_wait3A_267] : memref<128x2x16x8192xf32, #tpu.memory_space<hbm>> -> memref<1x1x8x8192xf32, #tpu.memory_space<hbm>>
    %dma_wait3A_269 = tpu.memref_squeeze %dma_wait3A_268 : memref<1x1x8x8192xf32, #tpu.memory_space<hbm>> -> memref<8x8192xf32, #tpu.memory_space<hbm>>
    %dma_wait3A_270 = arith.constant 0 : i32
    %dma_wait3A_271 = arith.constant 0 : i32
    %dma_wait3A_272 = tpu.memref_slice %arg6[%squeeze3A_24, %dma_wait3A_270, %dma_wait3A_271] : memref<16x8x8192xf32, #tpu.memory_space<vmem_shared>> -> memref<1x8x8192xf32, #tpu.memory_space<vmem_shared>>
    %dma_wait3A_273 = tpu.memref_squeeze %dma_wait3A_272 : memref<1x8x8192xf32, #tpu.memory_space<vmem_shared>> -> memref<8x8192xf32, #tpu.memory_space<vmem_shared>>
    tpu.wait_dma2 semaphore(%arg7 : memref<!tpu.dma_semaphore, #tpu.memory_space<semaphore_mem>>) src(%dma_wait3A_273 : memref<8x8192xf32, #tpu.memory_space<vmem_shared>>) dst(%dma_wait3A_269 : memref<8x8192xf32, #tpu.memory_space<hbm>>)
    %dma_wait3A_274 = arith.constant 0 : i32
    %dma_wait3A_275 = arith.constant 0 : i32
    %dma_wait3A_276 = tpu.memref_slice %arg4[%add3A_38, %dma_wait3A_274, %mul3A_42, %dma_wait3A_275] : memref<128x2x16x8192xf32, #tpu.memory_space<hbm>> -> memref<1x1x8x8192xf32, #tpu.memory_space<hbm>>
    %dma_wait3A_277 = tpu.memref_squeeze %dma_wait3A_276 : memref<1x1x8x8192xf32, #tpu.memory_space<hbm>> -> memref<8x8192xf32, #tpu.memory_space<hbm>>
    %dma_wait3A_278 = arith.constant 0 : i32
    %dma_wait3A_279 = arith.constant 0 : i32
    %dma_wait3A_280 = tpu.memref_slice %arg6[%squeeze3A_40, %dma_wait3A_278, %dma_wait3A_279] : memref<16x8x8192xf32, #tpu.memory_space<vmem_shared>> -> memref<1x8x8192xf32, #tpu.memory_space<vmem_shared>>
    %dma_wait3A_281 = tpu.memref_squeeze %dma_wait3A_280 : memref<1x8x8192xf32, #tpu.memory_space<vmem_shared>> -> memref<8x8192xf32, #tpu.memory_space<vmem_shared>>
    tpu.wait_dma2 semaphore(%arg7 : memref<!tpu.dma_semaphore, #tpu.memory_space<semaphore_mem>>) src(%dma_wait3A_281 : memref<8x8192xf32, #tpu.memory_space<vmem_shared>>) dst(%dma_wait3A_277 : memref<8x8192xf32, #tpu.memory_space<hbm>>)
    %dma_wait3A_282 = arith.constant 1 : i32
    %dma_wait3A_283 = arith.constant 0 : i32
    %dma_wait3A_284 = tpu.memref_slice %arg4[%add3A_54, %dma_wait3A_282, %mul3A_58, %dma_wait3A_283] : memref<128x2x16x8192xf32, #tpu.memory_space<hbm>> -> memref<1x1x8x8192xf32, #tpu.memory_space<hbm>>
    %dma_wait3A_285 = tpu.memref_squeeze %dma_wait3A_284 : memref<1x1x8x8192xf32, #tpu.memory_space<hbm>> -> memref<8x8192xf32, #tpu.memory_space<hbm>>
    %dma_wait3A_286 = arith.constant 0 : i32
    %dma_wait3A_287 = arith.constant 0 : i32
    %dma_wait3A_288 = tpu.memref_slice %arg6[%squeeze3A_56, %dma_wait3A_286, %dma_wait3A_287] : memref<16x8x8192xf32, #tpu.memory_space<vmem_shared>> -> memref<1x8x8192xf32, #tpu.memory_space<vmem_shared>>
    %dma_wait3A_289 = tpu.memref_squeeze %dma_wait3A_288 : memref<1x8x8192xf32, #tpu.memory_space<vmem_shared>> -> memref<8x8192xf32, #tpu.memory_space<vmem_shared>>
    tpu.wait_dma2 semaphore(%arg7 : memref<!tpu.dma_semaphore, #tpu.memory_space<semaphore_mem>>) src(%dma_wait3A_289 : memref<8x8192xf32, #tpu.memory_space<vmem_shared>>) dst(%dma_wait3A_285 : memref<8x8192xf32, #tpu.memory_space<hbm>>)
    %dma_wait3A_290 = arith.constant 0 : i32
    %dma_wait3A_291 = arith.constant 0 : i32
    %dma_wait3A_292 = tpu.memref_slice %arg4[%add3A_70, %dma_wait3A_290, %mul3A_74, %dma_wait3A_291] : memref<128x2x16x8192xf32, #tpu.memory_space<hbm>> -> memref<1x1x8x8192xf32, #tpu.memory_space<hbm>>
    %dma_wait3A_293 = tpu.memref_squeeze %dma_wait3A_292 : memref<1x1x8x8192xf32, #tpu.memory_space<hbm>> -> memref<8x8192xf32, #tpu.memory_space<hbm>>
    %dma_wait3A_294 = arith.constant 0 : i32
    %dma_wait3A_295 = arith.constant 0 : i32
    %dma_wait3A_296 = tpu.memref_slice %arg6[%squeeze3A_72, %dma_wait3A_294, %dma_wait3A_295] : memref<16x8x8192xf32, #tpu.memory_space<vmem_shared>> -> memref<1x8x8192xf32, #tpu.memory_space<vmem_shared>>
    %dma_wait3A_297 = tpu.memref_squeeze %dma_wait3A_296 : memref<1x8x8192xf32, #tpu.memory_space<vmem_shared>> -> memref<8x8192xf32, #tpu.memory_space<vmem_shared>>
    tpu.wait_dma2 semaphore(%arg7 : memref<!tpu.dma_semaphore, #tpu.memory_space<semaphore_mem>>) src(%dma_wait3A_297 : memref<8x8192xf32, #tpu.memory_space<vmem_shared>>) dst(%dma_wait3A_293 : memref<8x8192xf32, #tpu.memory_space<hbm>>)
    %dma_wait3A_298 = arith.constant 1 : i32
    %dma_wait3A_299 = arith.constant 0 : i32
    %dma_wait3A_300 = tpu.memref_slice %arg4[%add3A_86, %dma_wait3A_298, %mul3A_90, %dma_wait3A_299] : memref<128x2x16x8192xf32, #tpu.memory_space<hbm>> -> memref<1x1x8x8192xf32, #tpu.memory_space<hbm>>
    %dma_wait3A_301 = tpu.memref_squeeze %dma_wait3A_300 : memref<1x1x8x8192xf32, #tpu.memory_space<hbm>> -> memref<8x8192xf32, #tpu.memory_space<hbm>>
    %dma_wait3A_302 = arith.constant 0 : i32
    %dma_wait3A_303 = arith.constant 0 : i32
    %dma_wait3A_304 = tpu.memref_slice %arg6[%squeeze3A_88, %dma_wait3A_302, %dma_wait3A_303] : memref<16x8x8192xf32, #tpu.memory_space<vmem_shared>> -> memref<1x8x8192xf32, #tpu.memory_space<vmem_shared>>
    %dma_wait3A_305 = tpu.memref_squeeze %dma_wait3A_304 : memref<1x8x8192xf32, #tpu.memory_space<vmem_shared>> -> memref<8x8192xf32, #tpu.memory_space<vmem_shared>>
    tpu.wait_dma2 semaphore(%arg7 : memref<!tpu.dma_semaphore, #tpu.memory_space<semaphore_mem>>) src(%dma_wait3A_305 : memref<8x8192xf32, #tpu.memory_space<vmem_shared>>) dst(%dma_wait3A_301 : memref<8x8192xf32, #tpu.memory_space<hbm>>)
    %dma_wait3A_306 = arith.constant 0 : i32
    %dma_wait3A_307 = arith.constant 0 : i32
    %dma_wait3A_308 = tpu.memref_slice %arg4[%add3A_102, %dma_wait3A_306, %mul3A_106, %dma_wait3A_307] : memref<128x2x16x8192xf32, #tpu.memory_space<hbm>> -> memref<1x1x8x8192xf32, #tpu.memory_space<hbm>>
    %dma_wait3A_309 = tpu.memref_squeeze %dma_wait3A_308 : memref<1x1x8x8192xf32, #tpu.memory_space<hbm>> -> memref<8x8192xf32, #tpu.memory_space<hbm>>
    %dma_wait3A_310 = arith.constant 0 : i32
    %dma_wait3A_311 = arith.constant 0 : i32
    %dma_wait3A_312 = tpu.memref_slice %arg6[%squeeze3A_104, %dma_wait3A_310, %dma_wait3A_311] : memref<16x8x8192xf32, #tpu.memory_space<vmem_shared>> -> memref<1x8x8192xf32, #tpu.memory_space<vmem_shared>>
    %dma_wait3A_313 = tpu.memref_squeeze %dma_wait3A_312 : memref<1x8x8192xf32, #tpu.memory_space<vmem_shared>> -> memref<8x8192xf32, #tpu.memory_space<vmem_shared>>
    tpu.wait_dma2 semaphore(%arg7 : memref<!tpu.dma_semaphore, #tpu.memory_space<semaphore_mem>>) src(%dma_wait3A_313 : memref<8x8192xf32, #tpu.memory_space<vmem_shared>>) dst(%dma_wait3A_309 : memref<8x8192xf32, #tpu.memory_space<hbm>>)
    %dma_wait3A_314 = arith.constant 1 : i32
    %dma_wait3A_315 = arith.constant 0 : i32
    %dma_wait3A_316 = tpu.memref_slice %arg4[%add3A_118, %dma_wait3A_314, %mul3A_122, %dma_wait3A_315] : memref<128x2x16x8192xf32, #tpu.memory_space<hbm>> -> memref<1x1x8x8192xf32, #tpu.memory_space<hbm>>
    %dma_wait3A_317 = tpu.memref_squeeze %dma_wait3A_316 : memref<1x1x8x8192xf32, #tpu.memory_space<hbm>> -> memref<8x8192xf32, #tpu.memory_space<hbm>>
    %dma_wait3A_318 = arith.constant 0 : i32
    %dma_wait3A_319 = arith.constant 0 : i32
    %dma_wait3A_320 = tpu.memref_slice %arg6[%squeeze3A_120, %dma_wait3A_318, %dma_wait3A_319] : memref<16x8x8192xf32, #tpu.memory_space<vmem_shared>> -> memref<1x8x8192xf32, #tpu.memory_space<vmem_shared>>
    %dma_wait3A_321 = tpu.memref_squeeze %dma_wait3A_320 : memref<1x8x8192xf32, #tpu.memory_space<vmem_shared>> -> memref<8x8192xf32, #tpu.memory_space<vmem_shared>>
    tpu.wait_dma2 semaphore(%arg7 : memref<!tpu.dma_semaphore, #tpu.memory_space<semaphore_mem>>) src(%dma_wait3A_321 : memref<8x8192xf32, #tpu.memory_space<vmem_shared>>) dst(%dma_wait3A_317 : memref<8x8192xf32, #tpu.memory_space<hbm>>)
    %dma_wait3A_322 = arith.constant 0 : i32
    %dma_wait3A_323 = arith.constant 0 : i32
    %dma_wait3A_324 = tpu.memref_slice %arg4[%add3A_134, %dma_wait3A_322, %mul3A_138, %dma_wait3A_323] : memref<128x2x16x8192xf32, #tpu.memory_space<hbm>> -> memref<1x1x8x8192xf32, #tpu.memory_space<hbm>>
    %dma_wait3A_325 = tpu.memref_squeeze %dma_wait3A_324 : memref<1x1x8x8192xf32, #tpu.memory_space<hbm>> -> memref<8x8192xf32, #tpu.memory_space<hbm>>
    %dma_wait3A_326 = arith.constant 0 : i32
    %dma_wait3A_327 = arith.constant 0 : i32
    %dma_wait3A_328 = tpu.memref_slice %arg6[%squeeze3A_136, %dma_wait3A_326, %dma_wait3A_327] : memref<16x8x8192xf32, #tpu.memory_space<vmem_shared>> -> memref<1x8x8192xf32, #tpu.memory_space<vmem_shared>>
    %dma_wait3A_329 = tpu.memref_squeeze %dma_wait3A_328 : memref<1x8x8192xf32, #tpu.memory_space<vmem_shared>> -> memref<8x8192xf32, #tpu.memory_space<vmem_shared>>
    tpu.wait_dma2 semaphore(%arg7 : memref<!tpu.dma_semaphore, #tpu.memory_space<semaphore_mem>>) src(%dma_wait3A_329 : memref<8x8192xf32, #tpu.memory_space<vmem_shared>>) dst(%dma_wait3A_325 : memref<8x8192xf32, #tpu.memory_space<hbm>>)
    %dma_wait3A_330 = arith.constant 1 : i32
    %dma_wait3A_331 = arith.constant 0 : i32
    %dma_wait3A_332 = tpu.memref_slice %arg4[%add3A_150, %dma_wait3A_330, %mul3A_154, %dma_wait3A_331] : memref<128x2x16x8192xf32, #tpu.memory_space<hbm>> -> memref<1x1x8x8192xf32, #tpu.memory_space<hbm>>
    %dma_wait3A_333 = tpu.memref_squeeze %dma_wait3A_332 : memref<1x1x8x8192xf32, #tpu.memory_space<hbm>> -> memref<8x8192xf32, #tpu.memory_space<hbm>>
    %dma_wait3A_334 = arith.constant 0 : i32
    %dma_wait3A_335 = arith.constant 0 : i32
    %dma_wait3A_336 = tpu.memref_slice %arg6[%squeeze3A_152, %dma_wait3A_334, %dma_wait3A_335] : memref<16x8x8192xf32, #tpu.memory_space<vmem_shared>> -> memref<1x8x8192xf32, #tpu.memory_space<vmem_shared>>
    %dma_wait3A_337 = tpu.memref_squeeze %dma_wait3A_336 : memref<1x8x8192xf32, #tpu.memory_space<vmem_shared>> -> memref<8x8192xf32, #tpu.memory_space<vmem_shared>>
    tpu.wait_dma2 semaphore(%arg7 : memref<!tpu.dma_semaphore, #tpu.memory_space<semaphore_mem>>) src(%dma_wait3A_337 : memref<8x8192xf32, #tpu.memory_space<vmem_shared>>) dst(%dma_wait3A_333 : memref<8x8192xf32, #tpu.memory_space<hbm>>)
    %dma_wait3A_338 = arith.constant 0 : i32
    %dma_wait3A_339 = arith.constant 0 : i32
    %dma_wait3A_340 = tpu.memref_slice %arg4[%add3A_166, %dma_wait3A_338, %mul3A_170, %dma_wait3A_339] : memref<128x2x16x8192xf32, #tpu.memory_space<hbm>> -> memref<1x1x8x8192xf32, #tpu.memory_space<hbm>>
    %dma_wait3A_341 = tpu.memref_squeeze %dma_wait3A_340 : memref<1x1x8x8192xf32, #tpu.memory_space<hbm>> -> memref<8x8192xf32, #tpu.memory_space<hbm>>
    %dma_wait3A_342 = arith.constant 0 : i32
    %dma_wait3A_343 = arith.constant 0 : i32
    %dma_wait3A_344 = tpu.memref_slice %arg6[%squeeze3A_168, %dma_wait3A_342, %dma_wait3A_343] : memref<16x8x8192xf32, #tpu.memory_space<vmem_shared>> -> memref<1x8x8192xf32, #tpu.memory_space<vmem_shared>>
    %dma_wait3A_345 = tpu.memref_squeeze %dma_wait3A_344 : memref<1x8x8192xf32, #tpu.memory_space<vmem_shared>> -> memref<8x8192xf32, #tpu.memory_space<vmem_shared>>
    tpu.wait_dma2 semaphore(%arg7 : memref<!tpu.dma_semaphore, #tpu.memory_space<semaphore_mem>>) src(%dma_wait3A_345 : memref<8x8192xf32, #tpu.memory_space<vmem_shared>>) dst(%dma_wait3A_341 : memref<8x8192xf32, #tpu.memory_space<hbm>>)
    %dma_wait3A_346 = arith.constant 1 : i32
    %dma_wait3A_347 = arith.constant 0 : i32
    %dma_wait3A_348 = tpu.memref_slice %arg4[%add3A_182, %dma_wait3A_346, %mul3A_186, %dma_wait3A_347] : memref<128x2x16x8192xf32, #tpu.memory_space<hbm>> -> memref<1x1x8x8192xf32, #tpu.memory_space<hbm>>
    %dma_wait3A_349 = tpu.memref_squeeze %dma_wait3A_348 : memref<1x1x8x8192xf32, #tpu.memory_space<hbm>> -> memref<8x8192xf32, #tpu.memory_space<hbm>>
    %dma_wait3A_350 = arith.constant 0 : i32
    %dma_wait3A_351 = arith.constant 0 : i32
    %dma_wait3A_352 = tpu.memref_slice %arg6[%squeeze3A_184, %dma_wait3A_350, %dma_wait3A_351] : memref<16x8x8192xf32, #tpu.memory_space<vmem_shared>> -> memref<1x8x8192xf32, #tpu.memory_space<vmem_shared>>
    %dma_wait3A_353 = tpu.memref_squeeze %dma_wait3A_352 : memref<1x8x8192xf32, #tpu.memory_space<vmem_shared>> -> memref<8x8192xf32, #tpu.memory_space<vmem_shared>>
    tpu.wait_dma2 semaphore(%arg7 : memref<!tpu.dma_semaphore, #tpu.memory_space<semaphore_mem>>) src(%dma_wait3A_353 : memref<8x8192xf32, #tpu.memory_space<vmem_shared>>) dst(%dma_wait3A_349 : memref<8x8192xf32, #tpu.memory_space<hbm>>)
    %dma_wait3A_354 = arith.constant 0 : i32
    %dma_wait3A_355 = arith.constant 0 : i32
    %dma_wait3A_356 = tpu.memref_slice %arg4[%add3A_198, %dma_wait3A_354, %mul3A_202, %dma_wait3A_355] : memref<128x2x16x8192xf32, #tpu.memory_space<hbm>> -> memref<1x1x8x8192xf32, #tpu.memory_space<hbm>>
    %dma_wait3A_357 = tpu.memref_squeeze %dma_wait3A_356 : memref<1x1x8x8192xf32, #tpu.memory_space<hbm>> -> memref<8x8192xf32, #tpu.memory_space<hbm>>
    %dma_wait3A_358 = arith.constant 0 : i32
    %dma_wait3A_359 = arith.constant 0 : i32
    %dma_wait3A_360 = tpu.memref_slice %arg6[%squeeze3A_200, %dma_wait3A_358, %dma_wait3A_359] : memref<16x8x8192xf32, #tpu.memory_space<vmem_shared>> -> memref<1x8x8192xf32, #tpu.memory_space<vmem_shared>>
    %dma_wait3A_361 = tpu.memref_squeeze %dma_wait3A_360 : memref<1x8x8192xf32, #tpu.memory_space<vmem_shared>> -> memref<8x8192xf32, #tpu.memory_space<vmem_shared>>
    tpu.wait_dma2 semaphore(%arg7 : memref<!tpu.dma_semaphore, #tpu.memory_space<semaphore_mem>>) src(%dma_wait3A_361 : memref<8x8192xf32, #tpu.memory_space<vmem_shared>>) dst(%dma_wait3A_357 : memref<8x8192xf32, #tpu.memory_space<hbm>>)
    %dma_wait3A_362 = arith.constant 1 : i32
    %dma_wait3A_363 = arith.constant 0 : i32
    %dma_wait3A_364 = tpu.memref_slice %arg4[%add3A_214, %dma_wait3A_362, %mul3A_218, %dma_wait3A_363] : memref<128x2x16x8192xf32, #tpu.memory_space<hbm>> -> memref<1x1x8x8192xf32, #tpu.memory_space<hbm>>
    %dma_wait3A_365 = tpu.memref_squeeze %dma_wait3A_364 : memref<1x1x8x8192xf32, #tpu.memory_space<hbm>> -> memref<8x8192xf32, #tpu.memory_space<hbm>>
    %dma_wait3A_366 = arith.constant 0 : i32
    %dma_wait3A_367 = arith.constant 0 : i32
    %dma_wait3A_368 = tpu.memref_slice %arg6[%squeeze3A_216, %dma_wait3A_366, %dma_wait3A_367] : memref<16x8x8192xf32, #tpu.memory_space<vmem_shared>> -> memref<1x8x8192xf32, #tpu.memory_space<vmem_shared>>
    %dma_wait3A_369 = tpu.memref_squeeze %dma_wait3A_368 : memref<1x8x8192xf32, #tpu.memory_space<vmem_shared>> -> memref<8x8192xf32, #tpu.memory_space<vmem_shared>>
    tpu.wait_dma2 semaphore(%arg7 : memref<!tpu.dma_semaphore, #tpu.memory_space<semaphore_mem>>) src(%dma_wait3A_369 : memref<8x8192xf32, #tpu.memory_space<vmem_shared>>) dst(%dma_wait3A_365 : memref<8x8192xf32, #tpu.memory_space<hbm>>)
    %dma_wait3A_370 = arith.constant 0 : i32
    %dma_wait3A_371 = arith.constant 0 : i32
    %dma_wait3A_372 = tpu.memref_slice %arg4[%add3A_230, %dma_wait3A_370, %mul3A_234, %dma_wait3A_371] : memref<128x2x16x8192xf32, #tpu.memory_space<hbm>> -> memref<1x1x8x8192xf32, #tpu.memory_space<hbm>>
    %dma_wait3A_373 = tpu.memref_squeeze %dma_wait3A_372 : memref<1x1x8x8192xf32, #tpu.memory_space<hbm>> -> memref<8x8192xf32, #tpu.memory_space<hbm>>
    %dma_wait3A_374 = arith.constant 0 : i32
    %dma_wait3A_375 = arith.constant 0 : i32
    %dma_wait3A_376 = tpu.memref_slice %arg6[%squeeze3A_232, %dma_wait3A_374, %dma_wait3A_375] : memref<16x8x8192xf32, #tpu.memory_space<vmem_shared>> -> memref<1x8x8192xf32, #tpu.memory_space<vmem_shared>>
    %dma_wait3A_377 = tpu.memref_squeeze %dma_wait3A_376 : memref<1x8x8192xf32, #tpu.memory_space<vmem_shared>> -> memref<8x8192xf32, #tpu.memory_space<vmem_shared>>
    tpu.wait_dma2 semaphore(%arg7 : memref<!tpu.dma_semaphore, #tpu.memory_space<semaphore_mem>>) src(%dma_wait3A_377 : memref<8x8192xf32, #tpu.memory_space<vmem_shared>>) dst(%dma_wait3A_373 : memref<8x8192xf32, #tpu.memory_space<hbm>>)
    %dma_wait3A_378 = arith.constant 1 : i32
    %dma_wait3A_379 = arith.constant 0 : i32
    %dma_wait3A_380 = tpu.memref_slice %arg4[%add3A_246, %dma_wait3A_378, %mul3A_250, %dma_wait3A_379] : memref<128x2x16x8192xf32, #tpu.memory_space<hbm>> -> memref<1x1x8x8192xf32, #tpu.memory_space<hbm>>
    %dma_wait3A_381 = tpu.memref_squeeze %dma_wait3A_380 : memref<1x1x8x8192xf32, #tpu.memory_space<hbm>> -> memref<8x8192xf32, #tpu.memory_space<hbm>>
    %dma_wait3A_382 = arith.constant 0 : i32
    %dma_wait3A_383 = arith.constant 0 : i32
    %dma_wait3A_384 = tpu.memref_slice %arg6[%squeeze3A_248, %dma_wait3A_382, %dma_wait3A_383] : memref<16x8x8192xf32, #tpu.memory_space<vmem_shared>> -> memref<1x8x8192xf32, #tpu.memory_space<vmem_shared>>
    %dma_wait3A_385 = tpu.memref_squeeze %dma_wait3A_384 : memref<1x8x8192xf32, #tpu.memory_space<vmem_shared>> -> memref<8x8192xf32, #tpu.memory_space<vmem_shared>>
    tpu.wait_dma2 semaphore(%arg7 : memref<!tpu.dma_semaphore, #tpu.memory_space<semaphore_mem>>) src(%dma_wait3A_385 : memref<8x8192xf32, #tpu.memory_space<vmem_shared>>) dst(%dma_wait3A_381 : memref<8x8192xf32, #tpu.memory_space<hbm>>)
    return
  }
}

</mosaic_0001>

<sc_bundles>
// kernel: _gather_sc.3.cloned.1.call-start
scs
__scs_entry_jumppad:
0x0: {  	(pc) =	sbr.rel $0x88, $3  }
0x1: {  	(tag) =	ssettag $0x0;
	lr =	simm.s32 $0x1  }
0x2: {  	[smem:$0x3F9F] =	sst lr;
	_ =	strace $0xD0000000  }
0x3: {  	_ = 	snop  }
0x4: {  	_ = 	snop  }
0x5: {  	_ = 	snop  }
0x6: {  	_ = 	snop  }
0x7: {  	_ = 	snop  }
__scs_overlays_trampoline_lowered:
0x8: {  	[smem:$0x3FAE] =	sst s0  }
0x9: {  	[smem:$0x3FAF] =	sst s1  }
0xa: {  	[smem:$0x3FB0] =	sst s2  }
0xb: {  	[smem:$0x3FB1] =	sst s3  }
0xc: {  	[smem:$0x3FB2] =	sst s4  }
0xd: {  	[smem:$0x3FB3] =	sst s5  }
0xe: {  	[smem:$0x3FB4] =	sst s6  }
0xf: {  	[smem:$0x3FB5] =	sst s7  }
0x10: {  	[smem:$0x3FB6] =	sst s8  }
0x11: {  	[smem:$0x3FB7] =	sst s9;
	s0 =	simm.s32 @!p0 $0x0  }
0x12: {  	s1 =	sld [smem:$0x3F9D];
	s0 =	simm.s32 @p0 $0x1  }
0x13: {  	[smem:$0x3FB8] =	sst s0;
	s0 =	simm.s32 @!p1 $0x0  }
0x14: {  	s2 =	sld [smem:$0x3F9C];
	s0 =	simm.s32 @p1 $0x1  }
0x15: {  	[smem:$0x3FB9] =	sst s0;
	s0 =	simm.s32 @!p2 $0x0  }
0x16: {  	s3 =	sld [smem:$0x3FDB];
	s0 =	simm.s32 @p2 $0x1  }
0x17: {  	s4 =	simm.s32 $0x1BF5;
	[smem:$0x3FBB] =	sst s0  }
0x18: {  	s0 =	sld [smem:$0x3F9E];
	_ =	swait.ge [sflag:s4], $0x0  }
0x19: {  	s7 =	sld [smem:$0x3F9F]  }
0x1a: {  	s8 =	sadd.s32 $0xFFFFE003, lr  }
0x1b: {  	s9 =	sadd.s32 $0xFFFFFEF7, lr;
	s5 =	simm.s32 $0xFFFFFFFF;
	p2 =	slt.u32 s8, $0xFFFFF086  }
0x1c: {  	p1 =	slt.u32 s9, $0xF7A;
	s5 =	simm.s32 @!p2 $0x0  }
0x1d: {  	s5 =	simm.s32 @p1 $0x1;
	p0 =	seq.s32 s7, s2  }
0x1e: {  	s7 =	smul.u32 @!p0 $0xF7A, s2;
	p2 =	seq.s32 @!p0 s5, $0x0  }
0x1f: {  	s9 =	smul.u32 $0xF7A, s1;
	s8 =	simm.s32 @!p0 $0x1BF5;
	p2 =	por !p2, p0  }
0x20: {  	[sflag:s8] =	ssyncset.s32 @!p0 $0xFFFFF086;
	s6 =	sadd.s32 @!p0 s3, s7;
	s7 =	simm.s32 @!p0 $0x108  }
0x21: {  	s3 =	sadd.s32 s3, s9;
	s6 =	sadd.s32 @!p0 $0x88, s6;
	s7 =	simm.s32 @p2 $0x1082  }
0x22: {  	[simem:s7], [sflag:s8] =	dma.local @!p0 [hbm:s6], $0xF7A  }
0x23: {  	s9 =	sor.u32 $0xD0000000, s2;
	s6 =	simm.s32 $0x108;
	_ =	swait.ge @!p0 [sflag:s8], $0x0  }
0x24: {  	s3 =	sadd.s32 $0x88, s3;
	s6 =	simm.s32 @!p1 $0x1082;
	[sflag:s4] =	ssyncset.s32 $0xFFFFF086  }
0x25: {  	[simem:s6], [sflag:s4] =	dma.local [hbm:s3], $0xF7A  }
0x26: {  	[smem:$0x3F9F] =	sst s1;
	(tag) =	ssettag s2;
	_ =	strace s9  }
0x27: {  	s1 =	sld [smem:$0x3FAF]  }
0x28: {  	s2 =	sld [smem:$0x3FB0]  }
0x29: {  	s4 =	sld [smem:$0x3FB2]  }
0x2a: {  	p0 =	seq.s32 s5, $0x0;
	s5 =	sld [smem:$0x3FB3]  }
0x2b: {  	s6 =	sld [smem:$0x3FB4]  }
0x2c: {  	s7 =	sld [smem:$0x3FB5]  }
0x2d: {  	s3 =	simm.s32 $0x108;
	s8 =	sld [smem:$0x3FB6]  }
0x2e: {  	s3 =	simm.s32 @!p0 $0x1082;
	s9 =	sld [smem:$0x3FB7]  }
0x2f: {  	lr =	sadd.s32 s0, s3;
	s0 =	sld [smem:$0x3FAE]  }
0x30: {  	s3 =	sld [smem:$0x3FB1]  }
0x31: {  	[smem:$0x3FBA] =	sst s10  }
0x32: {  	s10 =	sld [smem:$0x3FB8];
	_ =	sdelay $0x3  }
0x33: {  	p0 =	seq.s32 s10, $0x1;
	s10 =	sld [smem:$0x3FBA];
	_ =	sdelay $0x3  }
0x34: {  	[smem:$0x3FBA] =	sst s10  }
0x35: {  	s10 =	sld [smem:$0x3FB9];
	_ =	sdelay $0x3  }
0x36: {  	p1 =	seq.s32 s10, $0x1;
	s10 =	sld [smem:$0x3FBA];
	_ =	sdelay $0x3  }
0x37: {  	[smem:$0x3FBA] =	sst s10  }
0x38: {  	s10 =	sld [smem:$0x3FBB]  }
0x39: {  	_ = 	snop;
	(pc) =	sbr.ind lr, $3  }
0x3a: {  	_ = 	snop  }
0x3b: {  	_ = 	snop  }
0x3c: {  	p2 =	seq.s32 s10, $0x1;
	s10 =	sld [smem:$0x3FBA]  }
0x3d: {  	_ =	shalt  }
0x3e: {  	_ =	shalt  }
0x3f: {  	_ =	shalt  }
0x40: {  	_ =	shalt  }
0x41: {  	_ =	shalt  }
0x42: {  	_ =	shalt  }
0x43: {  	_ =	shalt  }
0x44: {  	_ =	shalt  }
0x45: {  	_ =	shalt  }
0x46: {  	_ =	shalt  }
0x47: {  	_ =	shalt  }
0x48: {  	_ =	shalt  }
0x49: {  	_ =	shalt  }
0x4a: {  	_ =	shalt  }
0x4b: {  	_ =	shalt  }
0x4c: {  	_ =	shalt  }
0x4d: {  	_ =	shalt  }
0x4e: {  	_ =	shalt  }
0x4f: {  	_ =	shalt  }
0x50: {  	_ =	shalt  }
0x51: {  	_ =	shalt  }
0x52: {  	_ =	shalt  }
0x53: {  	_ =	shalt  }
0x54: {  	_ =	shalt  }
0x55: {  	_ =	shalt  }
0x56: {  	_ =	shalt  }
0x57: {  	_ =	shalt  }
0x58: {  	_ =	shalt  }
0x59: {  	_ =	shalt  }
0x5a: {  	_ =	shalt  }
0x5b: {  	_ =	shalt  }
0x5c: {  	_ =	shalt  }
0x5d: {  	_ =	shalt  }
0x5e: {  	_ =	shalt  }
0x5f: {  	_ =	shalt  }
0x60: {  	_ =	shalt  }
0x61: {  	_ =	shalt  }
0x62: {  	_ =	shalt  }
0x63: {  	_ =	shalt  }
0x64: {  	_ =	shalt  }
0x65: {  	_ =	shalt  }
0x66: {  	_ =	shalt  }
0x67: {  	_ =	shalt  }
0x68: {  	_ =	shalt  }
0x69: {  	_ =	shalt  }
0x6a: {  	_ =	shalt  }
0x6b: {  	_ =	shalt  }
0x6c: {  	_ =	shalt  }
0x6d: {  	_ =	shalt  }
0x6e: {  	_ =	shalt  }
0x6f: {  	_ =	shalt  }
0x70: {  	_ =	shalt  }
0x71: {  	_ =	shalt  }
0x72: {  	_ =	shalt  }
0x73: {  	_ =	shalt  }
0x74: {  	_ =	shalt  }
0x75: {  	_ =	shalt  }
0x76: {  	_ =	shalt  }
0x77: {  	_ =	shalt  }
0x78: {  	_ =	shalt  }
0x79: {  	_ =	shalt  }
0x7a: {  	_ =	shalt  }
0x7b: {  	_ =	shalt  }
0x7c: {  	_ =	shalt  }
0x7d: {  	_ =	shalt  }
0x7e: {  	_ =	shalt  }
0x7f: {  	_ =	shalt  }
0x80: {  	_ =	shalt  }
0x81: {  	_ =	shalt  }
0x82: {  	_ =	shalt  }
0x83: {  	_ =	shalt  }
0x84: {  	_ =	shalt  }
0x85: {  	_ =	shalt  }
0x86: {  	_ =	shalt  }
0x87: {  	_ =	shalt  }
.Lfunc_end0:
.L_simem_size_0:
called_computation_lowered:
.L_overlay_start_0:
0x88: {  	s2 =	sld [smem:$0x3FD9]  }
0x89: {  	s3 =	sld [smem:$0x3FFE];
	_ =	sdelay $0x1  }
0x8a: {  	s1 =	srdreg.scid  }
0x8b: {  	s0 =	sand.u32 $0x1, s1  }
0x8c: {  	s17 =	sshll.u32 s0, $0xA;
	s2 =	sadd.s32 s3, s2  }
0x8d: {  	s2 =	sadd.s32 s2, s17  }
0x8e: {  	[smem:$0x3FC6] =	sst s2  }
0x8f: {  	_ = 	snop  }
0x90: {  	s2 =	sld [smem:$0x3FC8]  }
0x91: {  	s18 =	sld [smem:$0x3FD0];
	(tm) =	ssettm $0x1  }
0x92: {  	s4 =	sld [smem:$0x3FFB];
	_ =	sdelay $0x3  }
0x93: {  	_ =	strace s4  }
0x94: {  	s4 =	sld [smem:$0x3FFC];
	_ =	sdelay $0x3  }
0x95: {  	_ =	strace s4  }
0x96: {  	s4 =	sld [smem:$0x3FFD];
	_ =	sdelay $0x3  }
0x97: {  	_ =	strace s4  }
0x98: {  	_ =	strace $0x8FFFFFFF  }
0x99: {  	s19 =	sld [smem:$0x3FDB];
	_ =	sdelay $0x1  }
0x9a: {  	s5 =	simm.s32 $_scs_section_size  }
0x9b: {  	s6 =	simm.s32 $_size__tile_overlayer_lowered;
	s7 =	simm.s32 $_tile_overlayer_lowered  }
0x9c: {  	s22 =	simm.s32 $0x1BFF;
	s21 =	sshll.u32 s7, $0x1;
	s4 =	sadd.s32 s5, s19  }
0x9d: {  	s8 =	simm.s32 $0x0;
	s20 =	sshll.u32 s6, $0x1;
	s6 =	sadd.s32 s21, s4  }
0x9e: {  	[timem:s8], [sflag:s22] =	dma.local [hbm:s6], s20  }
0x9f: {  	_ =	swait.ge [sflag:s22], s20  }
0xa0: {  	s5 =	ssub.s32 $0x0, s20;
	[sflag:s22] =	ssyncset.done $0x0  }
0xa1: {  	[sflag:s22] =	ssyncadd.s32 s5;
	_ =	sdelay $0x1  }
0xa2: {  	s23 =	simm.s32 $0x1B8B  }
0xa3: {  	_ =	swait.ge [sflag:s23], $0x1  }
0xa4: {  	[sflag:s23] =	ssyncset.done $0x0  }
0xa5: {  	s25 =	simm.s32 $0x1B8E;
	s24 =	sld [smem:$0x3FFE];
	[sflag:s23] =	ssyncadd.s32 $0xFFFFFFFF  }
0xa6: {  	s26 =	simm.s32 $execute0_lowered;
	[smem:$0x3FD2] =	sst s25  }
0xa7: {  	s6 =	sshll.u32 s26, $0x1;
	_ =	strace $0x80000046;
	[dreg:$0x1] =	wrdreg $0xFFFFFFFF  }
0xa8: {  	s28 =	simm.s32 $_size_execute0_lowered;
	s4 =	sadd.s32 s4, s6;
	[dreg:$0x0] =	wrdreg $0x0  }
0xa9: {  	s6 =	sshll.u32 s28, $0x1;
	[dreg:$0x2] =	wrdreg s4  }
0xaa: {  	[dreg:$0x3] =	wrdreg s6  }
0xab: {  	[dreg:$0x4] =	wrdreg $0xC0  }
0xac: {  	_ =	task [dreg:s8], $0x5FFFF  }
0xad: {  	[dreg:$0x1] =	wrdreg $0xFFFFFFFF  }
0xae: {  	[dreg:$0x0] =	wrdreg $0x60  }
0xaf: {  	[dreg:$0x2] =	wrdreg s2  }
0xb0: {  	[dreg:$0x3] =	wrdreg s24  }
0xb1: {  	[dreg:$0x4] =	wrdreg s18  }
0xb2: {  	[dreg:$0x5] =	wrdreg $0x4000  }
0xb3: {  	[dreg:$0x6] =	wrdreg $0x9  }
0xb4: {  	_ =	task.clear_ibuf [dreg:s8], $0x7FFFF;
	_ =	strace $0x90000046  }
0xb5: {  	s29 =	simm.s32 $0x9;
	_ =	strace $0x80000048  }
0xb6: {  	_ =	swait.ge [sflag:s29], $0x1  }
0xb7: {  	[sflag:s29] =	ssyncadd.s32 $0xFFFFFFFF  }
0xb8: {  	_ =	strace $0x90000048  }
0xb9: {  	_ =	sfence  }
0xba: {  	s30 =	sld [smem:$0x0];
	_ =	sdelay $0x2  }
0xbb: {  	s31 =	sshll.u32 s1, $0xD;
	s1 =	sshrl.u32 s1, $0x2  }
0xbc: {  	s3 =	sand.u32 $0x4000, s31;
	s1 =	sadd.s32 s1, s30  }
0xbd: {  	s0 =	sor.u32 s3, s0;
	s1 =	sshll.u32 s1, $0x11  }
0xbe: {  	s0 =	sor.u32 s1, s0  }
0xbf: {  	s0 =	sadd.s32 $0x8F2B, s0  }
0xc0: {  	[sflag:s0] =	ssyncadd.remote.s32 $0x1  }
0xc1: {  	_ =	sfence.sel $0xFFFF  }
0xc2: {  	[dreg:$0x0] =	wrdreg $0xFFFFFFFF;
	(pc) =	sbr.abs _section_cstart, $3  }
0xc3: {  	[dreg:$0x1] =	wrdreg $0xFFFFFFFF  }
0xc4: {  	_ =	task.clear_ibuf [dreg:s8], $0x2FFFF;
	_ =	strace $0x9FFFFFFF  }
0xc5: {  	(tm) =	ssettm $0x7FFFFFFF  }
tec
execute0_lowered:
.L_overlay_start_1:
0x0: {  	(tag) =	ssettag $0x1  }
0x1: {  	s2 =	rddreg [dreg:$0x0]  }
0x2: {  	s5 =	rddreg [dreg:$0x1]  }
0x3: {  	s6 =	rddreg [dreg:$0x2]  }
0x4: {  	s3 =	rddreg [dreg:$0x3]  }
0x5: {  	s0 =	rddreg [dreg:$0x4];
	s7 =	srdreg.scid;
	s4 =	simm.s32 $0x0  }
0x6: {  	s1 =	stileid.u32;
	p0 =	por $0x0, $0x0;
	s7 =	sand.u32 $0x1, s7  }
0x7: {  	[smem:$0x7FF] =	sst s4;
	s9 =	sshll.u32 s1, $0x11;
	s10 =	sshll.u32 s1, $0x7  }
0x8: {  	s20 =	sshll.u32 s1, $0x15;
	s21 =	sshll.u32 s1, $0x6;
	s30 =	sshll.u32 s1, $0x10  }
0x9: {  	v0 =	vimm.s32 $0x81800100;
	s8 =	sshll.u32 s7, $0x10;
	_ =	strace $0x80000047;
	s5 =	sadd.s32 s10, s5  }
0xa: {  	v0 =	vunpack.c.0.s8.s32 v0;
	s22 =	sor.u32 $0x1C02, s21;
	s26 =	ssub.s32 $0x2, s7;
	s16 =	sadd.s32 s30, s3  }
0xb: {  	s9 =	sor.u32 s8, s9;
	s8 =	sor.u32 s8, s20;
	[dreg:$0x6] =	wrdreg s22  }
0xc: {  	vm0 =	vcmask $0xF00;
	s5 =	sadd.s32 $0x400, s5;
	v0 =	vand.u32 $0xFF, v0;
	s7 =	sshrl.u32 s26, $0x1;
	s17 =	sshrl.u32 s16, $0x3  }
0xd: {  	vm5 =	vcmask $0x1310;
	s16 =	simm.s32 $0x2;
	s9 =	sshrl.u32 s9, $0x3;
	s8 =	sshrl.u32 s8, $0x3;
	v0 =	vnsel vm0, $0x381, v0  }
0xe: {  	vm6 =	vcmask $0x1714;
	[dreg:$0x7] =	wrdreg s5;
	s15 =	ssub.s32 s26, s7;
	s9 =	sadd.s32 s2, s9;
	v0 =	vsel vm5, $0x100, v0  }
0xf: {  	vm7 =	vcmask $0x1B18;
	s8 =	sadd.s32 s6, s8;
	s18 =	smax.u32 s15, $0x1;
	s15 =	sor.u32 $0x1C01, s21;
	v0 =	vsel vm6, $0x101, v0  }
0x10: {  	vm8 =	vcmask $0x1F1C;
	s2 =	simm.s32 $0x1;
	[dreg:$0x5] =	wrdreg s9;
	s23 =	sadd.s32 $0x4000, s8;
	v0 =	vsel vm7, $0x180, v0  }
0x11: {  	vm9 =	vcmask $0x2320;
	s24 =	sadd.s32 $0x8000, s8;
	s25 =	sadd.s32 $0xC000, s8;
	s28 =	sadd.s32 $0x10000, s8;
	v0 =	vsel vm8, $0x181, v0  }
0x12: {  	vm10 =	vcmask $0x2724;
	s29 =	sadd.s32 $0x14000, s8;
	s31 =	sadd.s32 $0x18000, s8;
	[dreg:$0x8] =	wrdreg s23;
	v0 =	vsel vm9, $0x200, v0  }
0x13: {  	vm11 =	vcmask $0x2B28;
	s5 =	sadd.s32 $0x1C000, s8;
	p1 =	sne.s32 s18, $0x1;
	[dreg:$0x9] =	wrdreg s24;
	v0 =	vsel vm10, $0x201, v0  }
.Ltmp0:
0x14: {  	vm12 =	vcmask $0x2F2C;
	s6 =	sadd.s32 $0x20000, s8;
	[dreg:$0xa] =	wrdreg s25;
	v0 =	vsel vm11, $0x280, v0;
	(pc) =	sbr.rel @!p1 .LBB2_3-.Ltmp0, $4  }
0x15: {  	vm13 =	vcmask $0x3330;
	s7 =	sadd.s32 $0x24000, s8;
	s9 =	sadd.s32 $0x28000, s8;
	[dreg:$0xb] =	wrdreg s28;
	v0 =	vsel vm12, $0x281, v0  }
0x16: {  	vm14 =	vcmask $0x3734;
	s10 =	sadd.s32 $0x2C000, s8;
	s11 =	sadd.s32 $0x30000, s8;
	[dreg:$0xc] =	wrdreg s29;
	v0 =	vsel vm13, $0x300, v0  }
0x17: {  	vm15 =	vcmask $0x3B38;
	s12 =	sadd.s32 $0x34000, s8;
	s13 =	sadd.s32 $0x38000, s8;
	[dreg:$0xd] =	wrdreg s31;
	v0 =	vsel vm14, $0x301, v0  }
0x18: {  	s14 =	sadd.s32 $0x3C000, s8;
	s18 =	sadd.s32 $0xFFFFFFFF, s18;
	s19 =	rddreg [dreg:$0x5];
	v0 =	vsel vm15, $0x380, v0  }
0x19: {  	s20 =	rddreg [dreg:$0x6]  }
0x1a: {  	[spmem:s17], [sflag:s20] =	dma.local [hbm:s19], $0x2000  }
0x1b: {  	_ =	swait.ge [sflag:s16], $0x2000  }
0x1c: {  	[sflag:s16] =	ssyncset.done $0x0  }
0x1d: {  	s29 =	rddreg [dreg:$0x7];
	[sflag:s16] =	ssyncadd.s32 $0xFFFFE000  }
0x1e: {  	[tilespmem:s4], [sflag:$0x2] =	stream.linear.gather [hbm4b:s29+s4], $0x400, $0x38;
	[tilespmem:$0x10400] =	vst v63  }
0x1f: {  	_ =	swait.ge [sflag:s16], $0x400  }
0x20: {  	[sflag:s16] =	ssyncset.done $0x0  }
0x21: {  	[sflag:s16] =	ssyncadd.s32 $0xFFFFFC00  }
0x22: {  	v1 =	vld.idx.msk [tilespmem:v0+s4+$0x0], $0xffff;
	_ =	sdelay $0x4  }
0x23: {  	v1 =	vshll.u32 v1, $0x12  }
0x24: {  	v1 =	vshra.s32 v1, $0x2  }
0x25: {  	v1 =	vadd.s32 s3, v1  }
0x26: {  	[bflag:$0x0] =	sbarrier.arrive $0xFFFF;
	v1 =	vshrl.u32 v1, $0x3  }
0x27: {  	(v2sf) =	vpush v1, $0x0;
	_ =	sdelay $0x3  }
0x28: {  	(v2sf) =	vpush v1, $0x1;
	_ =	sdelay $0x2  }
0x29: {  	(v2sf) =	vpush v1, $0xF  }
0x2a: {  	(v2sf) =	vpush v1, $0x2;
	_ =	sdelay $0x2  }
0x2b: {  	(v2sf) =	vpush v1, $0xE  }
0x2c: {  	(v2sf) =	vpush v1, $0xD  }
0x2d: {  	(v2sf) =	vpush v1, $0x3  }
0x2e: {  	(v2sf) =	vpush v1, $0xC  }
0x2f: {  	s30 =	spop (v2sf);
	(v2sf) =	vpush v1, $0xB  }
0x30: {  	[hbm:s8], [sflag:s15] =	dma.local [spmem:s30], $0x2000  }
0x31: {  	(v2sf) =	vpush v1, $0x4  }
0x32: {  	(v2sf) =	vpush v1, $0xA  }
0x33: {  	s19 =	rddreg [dreg:$0x8];
	s31 =	spop (v2sf);
	(v2sf) =	vpush v1, $0x9  }
0x34: {  	[hbm:s19], [sflag:s15] =	dma.local [spmem:s31], $0x2000  }
0x35: {  	(v2sf) =	vpush v1, $0x5  }
0x36: {  	s20 =	spop (v2sf);
	(v2sf) =	vpush v1, $0x8  }
0x37: {  	s19 =	rddreg [dreg:$0x9];
	s21 =	spop (v2sf);
	(v2sf) =	vpush v1, $0x7  }
0x38: {  	[hbm:s19], [sflag:s15] =	dma.local [spmem:s21], $0x2000  }
0x39: {  	(v2sf) =	vpush v1, $0x6  }
0x3a: {  	s21 =	spop (v2sf)  }
0x3b: {  	s22 =	spop (v2sf)  }
0x3c: {  	s19 =	rddreg [dreg:$0xa];
	s23 =	spop (v2sf)  }
0x3d: {  	[hbm:s19], [sflag:s15] =	dma.local [spmem:s23], $0x2000  }
0x3e: {  	s23 =	spop (v2sf)  }
0x3f: {  	s24 =	spop (v2sf)  }
0x40: {  	s19 =	rddreg [dreg:$0xb];
	s25 =	spop (v2sf)  }
0x41: {  	[hbm:s19], [sflag:s15] =	dma.local [spmem:s25], $0x2000  }
0x42: {  	s25 =	spop (v2sf)  }
0x43: {  	s26 =	spop (v2sf)  }
0x44: {  	s19 =	rddreg [dreg:$0xc];
	s28 =	spop (v2sf)  }
0x45: {  	[hbm:s19], [sflag:s15] =	dma.local [spmem:s28], $0x2000  }
0x46: {  	s28 =	spop (v2sf)  }
0x47: {  	s29 =	spop (v2sf)  }
0x48: {  	s19 =	rddreg [dreg:$0xd];
	s30 =	spop (v2sf)  }
0x49: {  	[hbm:s19], [sflag:s15] =	dma.local [spmem:s30], $0x2000  }
0x4a: {  	[hbm:s5], [sflag:s15] =	dma.local [spmem:s29], $0x2000  }
0x4b: {  	[hbm:s6], [sflag:s15] =	dma.local [spmem:s28], $0x2000  }
0x4c: {  	[hbm:s7], [sflag:s15] =	dma.local [spmem:s26], $0x2000  }
0x4d: {  	[hbm:s9], [sflag:s15] =	dma.local [spmem:s25], $0x2000  }
0x4e: {  	[hbm:s10], [sflag:s15] =	dma.local [spmem:s24], $0x2000  }
0x4f: {  	[hbm:s11], [sflag:s15] =	dma.local [spmem:s23], $0x2000  }
0x50: {  	[hbm:s12], [sflag:s15] =	dma.local [spmem:s22], $0x2000  }
0x51: {  	[hbm:s13], [sflag:s15] =	dma.local [spmem:s21], $0x2000  }
0x52: {  	[hbm:s14], [sflag:s15] =	dma.local [spmem:s20], $0x2000  }
0x53: {  	_ =	swait.ge [sflag:s2], $0x2000  }
0x54: {  	[sflag:s2] =	ssyncset.done $0x0  }
0x55: {  	[sflag:s2] =	ssyncadd.s32 $0xFFFFE000  }
0x56: {  	_ =	swait.ge [sflag:s2], $0x2000  }
0x57: {  	[sflag:s2] =	ssyncset.done $0x0  }
0x58: {  	[sflag:s2] =	ssyncadd.s32 $0xFFFFE000  }
0x59: {  	_ =	swait.ge [sflag:s2], $0x2000  }
0x5a: {  	[sflag:s2] =	ssyncset.done $0x0  }
0x5b: {  	[sflag:s2] =	ssyncadd.s32 $0xFFFFE000  }
0x5c: {  	_ =	swait.ge [sflag:s2], $0x2000  }
0x5d: {  	[sflag:s2] =	ssyncset.done $0x0  }
0x5e: {  	[sflag:s2] =	ssyncadd.s32 $0xFFFFE000  }
0x5f: {  	_ =	swait.ge [sflag:s2], $0x2000  }
0x60: {  	[sflag:s2] =	ssyncset.done $0x0  }
0x61: {  	[sflag:s2] =	ssyncadd.s32 $0xFFFFE000  }
0x62: {  	_ =	swait.ge [sflag:s2], $0x2000  }
0x63: {  	[sflag:s2] =	ssyncset.done $0x0  }
0x64: {  	[sflag:s2] =	ssyncadd.s32 $0xFFFFE000  }
0x65: {  	_ =	swait.ge [sflag:s2], $0x2000  }
0x66: {  	[sflag:s2] =	ssyncset.done $0x0  }
0x67: {  	[sflag:s2] =	ssyncadd.s32 $0xFFFFE000  }
0x68: {  	_ =	swait.ge [sflag:s2], $0x2000  }
0x69: {  	[sflag:s2] =	ssyncset.done $0x0  }
0x6a: {  	[sflag:s2] =	ssyncadd.s32 $0xFFFFE000  }
0x6b: {  	_ =	swait.ge [sflag:s2], $0x2000  }
0x6c: {  	[sflag:s2] =	ssyncset.done $0x0  }
0x6d: {  	[sflag:s2] =	ssyncadd.s32 $0xFFFFE000  }
0x6e: {  	_ =	swait.ge [sflag:s2], $0x2000  }
0x6f: {  	[sflag:s2] =	ssyncset.done $0x0  }
0x70: {  	[sflag:s2] =	ssyncadd.s32 $0xFFFFE000  }
0x71: {  	_ =	swait.ge [sflag:s2], $0x2000  }
0x72: {  	[sflag:s2] =	ssyncset.done $0x0  }
0x73: {  	[sflag:s2] =	ssyncadd.s32 $0xFFFFE000  }
0x74: {  	_ =	swait.ge [sflag:s2], $0x2000  }
0x75: {  	[sflag:s2] =	ssyncset.done $0x0  }
0x76: {  	[sflag:s2] =	ssyncadd.s32 $0xFFFFE000  }
0x77: {  	_ =	swait.ge [sflag:s2], $0x2000  }
0x78: {  	[sflag:s2] =	ssyncset.done $0x0  }
0x79: {  	[sflag:s2] =	ssyncadd.s32 $0xFFFFE000  }
0x7a: {  	_ =	swait.ge [sflag:s2], $0x2000  }
0x7b: {  	[sflag:s2] =	ssyncset.done $0x0  }
0x7c: {  	p1 =	sne.s32 s18, $0x1;
	[sflag:s2] =	ssyncadd.s32 $0xFFFFE000  }
.Ltmp1:
0x7d: {  	_ =	swait.ge [sflag:s2], $0x2000;
	(pc) =	sbr.rel @!p1 .LBB2_3-.Ltmp1, $4  }
0x7e: {  	[sflag:s2] =	ssyncset.done $0x0  }
0x7f: {  	[sflag:s2] =	ssyncadd.s32 $0xFFFFE000  }
0x80: {  	s18 =	sadd.s32 $0xFFFFFFFF, s18;
	_ =	swait.ge [sflag:s2], $0x2000  }
0x81: {  	p0 =	por $0x1, $0x1;
	s19 =	rddreg [dreg:$0x5];
	[sflag:s2] =	ssyncset.done $0x0  }
.LBB2_2:
0x82: {  	s20 =	rddreg [dreg:$0x6];
	[sflag:s2] =	ssyncadd.s32 $0xFFFFE000  }
0x83: {  	[spmem:s17], [sflag:s20] =	dma.local [hbm:s19], $0x2000  }
0x84: {  	_ =	swait.ge [sflag:s16], $0x2000  }
0x85: {  	[sflag:s16] =	ssyncset.done $0x0  }
0x86: {  	s29 =	rddreg [dreg:$0x7];
	[sflag:s16] =	ssyncadd.s32 $0xFFFFE000  }
0x87: {  	[tilespmem:s4], [sflag:$0x2] =	stream.linear.gather [hbm4b:s29+s4], $0x400, $0x38;
	[tilespmem:$0x10400] =	vst v63  }
0x88: {  	_ =	swait.ge [sflag:s16], $0x400  }
0x89: {  	[sflag:s16] =	ssyncset.done $0x0  }
0x8a: {  	[sflag:s16] =	ssyncadd.s32 $0xFFFFFC00  }
0x8b: {  	v1 =	vld.idx.msk [tilespmem:v0+s4+$0x0], $0xffff;
	_ =	sdelay $0x4  }
0x8c: {  	v1 =	vshll.u32 v1, $0x12  }
0x8d: {  	v1 =	vshra.s32 v1, $0x2  }
0x8e: {  	v1 =	vadd.s32 s3, v1  }
0x8f: {  	[bflag:$0x0] =	sbarrier.arrive $0xFFFF;
	v1 =	vshrl.u32 v1, $0x3  }
0x90: {  	(v2sf) =	vpush v1, $0x0;
	_ =	sdelay $0x3  }
0x91: {  	(v2sf) =	vpush v1, $0x1;
	_ =	sdelay $0x2  }
0x92: {  	(v2sf) =	vpush v1, $0xF  }
0x93: {  	(v2sf) =	vpush v1, $0x2;
	_ =	sdelay $0x2  }
0x94: {  	(v2sf) =	vpush v1, $0xE  }
0x95: {  	(v2sf) =	vpush v1, $0xD  }
0x96: {  	(v2sf) =	vpush v1, $0x3  }
0x97: {  	(v2sf) =	vpush v1, $0xC  }
0x98: {  	s30 =	spop (v2sf);
	(v2sf) =	vpush v1, $0xB  }
0x99: {  	[hbm:s8], [sflag:s15] =	dma.local [spmem:s30], $0x2000  }
0x9a: {  	(v2sf) =	vpush v1, $0x4  }
0x9b: {  	(v2sf) =	vpush v1, $0xA  }
0x9c: {  	s19 =	rddreg [dreg:$0x8];
	s31 =	spop (v2sf);
	(v2sf) =	vpush v1, $0x9  }
0x9d: {  	[hbm:s19], [sflag:s15] =	dma.local [spmem:s31], $0x2000  }
0x9e: {  	(v2sf) =	vpush v1, $0x5  }
0x9f: {  	s20 =	spop (v2sf);
	(v2sf) =	vpush v1, $0x8  }
0xa0: {  	s19 =	rddreg [dreg:$0x9];
	s21 =	spop (v2sf);
	(v2sf) =	vpush v1, $0x7  }
0xa1: {  	[hbm:s19], [sflag:s15] =	dma.local [spmem:s21], $0x2000  }
0xa2: {  	(v2sf) =	vpush v1, $0x6  }
0xa3: {  	s21 =	spop (v2sf)  }
0xa4: {  	s22 =	spop (v2sf)  }
0xa5: {  	s19 =	rddreg [dreg:$0xa];
	s23 =	spop (v2sf)  }
0xa6: {  	[hbm:s19], [sflag:s15] =	dma.local [spmem:s23], $0x2000  }
0xa7: {  	s23 =	spop (v2sf)  }
0xa8: {  	s24 =	spop (v2sf)  }
0xa9: {  	s19 =	rddreg [dreg:$0xb];
	s25 =	spop (v2sf)  }
0xaa: {  	[hbm:s19], [sflag:s15] =	dma.local [spmem:s25], $0x2000  }
0xab: {  	s25 =	spop (v2sf)  }
0xac: {  	s26 =	spop (v2sf)  }
0xad: {  	s19 =	rddreg [dreg:$0xc];
	s28 =	spop (v2sf)  }
0xae: {  	[hbm:s19], [sflag:s15] =	dma.local [spmem:s28], $0x2000  }
0xaf: {  	s28 =	spop (v2sf)  }
0xb0: {  	s29 =	spop (v2sf)  }
0xb1: {  	s19 =	rddreg [dreg:$0xd];
	s30 =	spop (v2sf)  }
0xb2: {  	[hbm:s19], [sflag:s15] =	dma.local [spmem:s30], $0x2000  }
0xb3: {  	[hbm:s5], [sflag:s15] =	dma.local [spmem:s29], $0x2000  }
0xb4: {  	[hbm:s6], [sflag:s15] =	dma.local [spmem:s28], $0x2000  }
0xb5: {  	[hbm:s7], [sflag:s15] =	dma.local [spmem:s26], $0x2000  }
0xb6: {  	[hbm:s9], [sflag:s15] =	dma.local [spmem:s25], $0x2000  }
0xb7: {  	[hbm:s10], [sflag:s15] =	dma.local [spmem:s24], $0x2000  }
0xb8: {  	[hbm:s11], [sflag:s15] =	dma.local [spmem:s23], $0x2000  }
0xb9: {  	[hbm:s12], [sflag:s15] =	dma.local [spmem:s22], $0x2000  }
0xba: {  	[hbm:s13], [sflag:s15] =	dma.local [spmem:s21], $0x2000  }
0xbb: {  	[hbm:s14], [sflag:s15] =	dma.local [spmem:s20], $0x2000  }
0xbc: {  	_ =	swait.ge [sflag:s2], $0x2000  }
0xbd: {  	[sflag:s2] =	ssyncset.done $0x0  }
0xbe: {  	[sflag:s2] =	ssyncadd.s32 $0xFFFFE000  }
0xbf: {  	_ =	swait.ge [sflag:s2], $0x2000  }
0xc0: {  	[sflag:s2] =	ssyncset.done $0x0  }
0xc1: {  	[sflag:s2] =	ssyncadd.s32 $0xFFFFE000  }
0xc2: {  	_ =	swait.ge [sflag:s2], $0x2000  }
0xc3: {  	[sflag:s2] =	ssyncset.done $0x0  }
0xc4: {  	[sflag:s2] =	ssyncadd.s32 $0xFFFFE000  }
0xc5: {  	_ =	swait.ge [sflag:s2], $0x2000  }
0xc6: {  	[sflag:s2] =	ssyncset.done $0x0  }
0xc7: {  	[sflag:s2] =	ssyncadd.s32 $0xFFFFE000  }
0xc8: {  	_ =	swait.ge [sflag:s2], $0x2000  }
0xc9: {  	[sflag:s2] =	ssyncset.done $0x0  }
0xca: {  	[sflag:s2] =	ssyncadd.s32 $0xFFFFE000  }
0xcb: {  	_ =	swait.ge [sflag:s2], $0x2000  }
0xcc: {  	[sflag:s2] =	ssyncset.done $0x0  }
0xcd: {  	[sflag:s2] =	ssyncadd.s32 $0xFFFFE000  }
0xce: {  	_ =	swait.ge [sflag:s2], $0x2000  }
0xcf: {  	[sflag:s2] =	ssyncset.done $0x0  }
0xd0: {  	[sflag:s2] =	ssyncadd.s32 $0xFFFFE000  }
0xd1: {  	_ =	swait.ge [sflag:s2], $0x2000  }
0xd2: {  	[sflag:s2] =	ssyncset.done $0x0  }
0xd3: {  	[sflag:s2] =	ssyncadd.s32 $0xFFFFE000  }
0xd4: {  	_ =	swait.ge [sflag:s2], $0x2000  }
0xd5: {  	[sflag:s2] =	ssyncset.done $0x0  }
0xd6: {  	[sflag:s2] =	ssyncadd.s32 $0xFFFFE000  }
0xd7: {  	_ =	swait.ge [sflag:s2], $0x2000  }
0xd8: {  	[sflag:s2] =	ssyncset.done $0x0  }
0xd9: {  	[sflag:s2] =	ssyncadd.s32 $0xFFFFE000  }
0xda: {  	_ =	swait.ge [sflag:s2], $0x2000  }
0xdb: {  	[sflag:s2] =	ssyncset.done $0x0  }
0xdc: {  	[sflag:s2] =	ssyncadd.s32 $0xFFFFE000  }
0xdd: {  	_ =	swait.ge [sflag:s2], $0x2000  }
0xde: {  	[sflag:s2] =	ssyncset.done $0x0  }
0xdf: {  	[sflag:s2] =	ssyncadd.s32 $0xFFFFE000  }
0xe0: {  	_ =	swait.ge [sflag:s2], $0x2000  }
0xe1: {  	[sflag:s2] =	ssyncset.done $0x0  }
0xe2: {  	[sflag:s2] =	ssyncadd.s32 $0xFFFFE000  }
0xe3: {  	_ =	swait.ge [sflag:s2], $0x2000  }
0xe4: {  	[sflag:s2] =	ssyncset.done $0x0  }
0xe5: {  	p1 =	sne.s32 s18, $0x1;
	[sflag:s2] =	ssyncadd.s32 $0xFFFFE000  }
.Ltmp2:
0xe6: {  	_ =	swait.ge [sflag:s2], $0x2000;
	(pc) =	sbr.rel @p1 .LBB2_2-.Ltmp2, $4  }
0xe7: {  	[sflag:s2] =	ssyncset.done $0x0  }
0xe8: {  	[sflag:s2] =	ssyncadd.s32 $0xFFFFE000  }
0xe9: {  	_ =	swait.ge [sflag:s2], $0x2000  }
0xea: {  	s18 =	sadd.s32 $0xFFFFFFFF, s18;
	s19 =	rddreg [dreg:$0x5];
	[sflag:s2] =	ssyncset.done $0x0  }
.LBB2_3:
0xeb: {  	s18 =	rddreg [dreg:$0x6];
	[sflag:s2] =	ssyncadd.s32 @p0 $0xFFFFE000  }
0xec: {  	[spmem:s17], [sflag:s18] =	dma.local [hbm:s19], $0x2000  }
0xed: {  	_ =	swait.ge [sflag:s16], $0x2000  }
0xee: {  	[sflag:s16] =	ssyncset.done $0x0  }
0xef: {  	s23 =	rddreg [dreg:$0x7];
	[sflag:s16] =	ssyncadd.s32 $0xFFFFE000  }
0xf0: {  	[tilespmem:s4], [sflag:$0x2] =	stream.linear.gather [hbm4b:s23+s4], $0x400, $0x38;
	[tilespmem:$0x10400] =	vst v63  }
0xf1: {  	_ =	swait.ge [sflag:s16], $0x400  }
0xf2: {  	[sflag:s16] =	ssyncset.done $0x0  }
0xf3: {  	[sflag:s16] =	ssyncadd.s32 $0xFFFFFC00  }
0xf4: {  	v0 =	vld.idx.msk [tilespmem:v0+s4+$0x0], $0xffff;
	_ =	sdelay $0x4  }
0xf5: {  	v0 =	vshll.u32 v0, $0x12  }
0xf6: {  	v0 =	vshra.s32 v0, $0x2  }
0xf7: {  	v0 =	vadd.s32 s3, v0  }
0xf8: {  	[bflag:$0x0] =	sbarrier.arrive $0xFFFF;
	v0 =	vshrl.u32 v0, $0x3  }
0xf9: {  	(v2sf) =	vpush v0, $0x0;
	_ =	sdelay $0x3  }
0xfa: {  	(v2sf) =	vpush v0, $0x1;
	_ =	sdelay $0x2  }
0xfb: {  	(v2sf) =	vpush v0, $0xF  }
0xfc: {  	(v2sf) =	vpush v0, $0x2;
	_ =	sdelay $0x2  }
0xfd: {  	(v2sf) =	vpush v0, $0xE  }
0xfe: {  	(v2sf) =	vpush v0, $0xD  }
0xff: {  	(v2sf) =	vpush v0, $0x3  }
0x100: {  	(v2sf) =	vpush v0, $0xC  }
0x101: {  	s24 =	spop (v2sf);
	(v2sf) =	vpush v0, $0xB  }
0x102: {  	[hbm:s8], [sflag:s15] =	dma.local [spmem:s24], $0x2000  }
0x103: {  	(v2sf) =	vpush v0, $0x4  }
0x104: {  	(v2sf) =	vpush v0, $0xA  }
0x105: {  	s3 =	rddreg [dreg:$0x8];
	s25 =	spop (v2sf);
	(v2sf) =	vpush v0, $0x9  }
0x106: {  	[hbm:s3], [sflag:s15] =	dma.local [spmem:s25], $0x2000  }
0x107: {  	(v2sf) =	vpush v0, $0x5  }
0x108: {  	s4 =	spop (v2sf);
	(v2sf) =	vpush v0, $0x8  }
0x109: {  	s3 =	rddreg [dreg:$0x9];
	s26 =	spop (v2sf);
	(v2sf) =	vpush v0, $0x7  }
0x10a: {  	[hbm:s3], [sflag:s15] =	dma.local [spmem:s26], $0x2000  }
0x10b: {  	(v2sf) =	vpush v0, $0x6  }
0x10c: {  	s8 =	spop (v2sf)  }
0x10d: {  	s28 =	spop (v2sf)  }
0x10e: {  	s3 =	rddreg [dreg:$0xa];
	s29 =	spop (v2sf)  }
0x10f: {  	[hbm:s3], [sflag:s15] =	dma.local [spmem:s29], $0x2000  }
0x110: {  	s17 =	spop (v2sf)  }
0x111: {  	s30 =	spop (v2sf)  }
0x112: {  	s3 =	rddreg [dreg:$0xb];
	s31 =	spop (v2sf)  }
0x113: {  	[hbm:s3], [sflag:s15] =	dma.local [spmem:s31], $0x2000  }
0x114: {  	s19 =	spop (v2sf)  }
0x115: {  	s20 =	spop (v2sf)  }
0x116: {  	s3 =	rddreg [dreg:$0xc];
	s21 =	spop (v2sf)  }
0x117: {  	[hbm:s3], [sflag:s15] =	dma.local [spmem:s21], $0x2000  }
0x118: {  	s21 =	spop (v2sf)  }
0x119: {  	s22 =	spop (v2sf)  }
0x11a: {  	s3 =	rddreg [dreg:$0xd];
	s23 =	spop (v2sf)  }
0x11b: {  	[hbm:s3], [sflag:s15] =	dma.local [spmem:s23], $0x2000  }
0x11c: {  	[hbm:s5], [sflag:s15] =	dma.local [spmem:s22], $0x2000  }
0x11d: {  	[hbm:s6], [sflag:s15] =	dma.local [spmem:s21], $0x2000  }
0x11e: {  	[hbm:s7], [sflag:s15] =	dma.local [spmem:s20], $0x2000  }
0x11f: {  	[hbm:s9], [sflag:s15] =	dma.local [spmem:s19], $0x2000  }
0x120: {  	[hbm:s10], [sflag:s15] =	dma.local [spmem:s30], $0x2000  }
0x121: {  	[hbm:s11], [sflag:s15] =	dma.local [spmem:s17], $0x2000  }
0x122: {  	[hbm:s12], [sflag:s15] =	dma.local [spmem:s28], $0x2000  }
0x123: {  	[hbm:s13], [sflag:s15] =	dma.local [spmem:s8], $0x2000  }
0x124: {  	[hbm:s14], [sflag:s15] =	dma.local [spmem:s4], $0x2000  }
0x125: {  	_ =	swait.ge [sflag:s2], $0x2000  }
0x126: {  	[sflag:s2] =	ssyncset.done $0x0  }
0x127: {  	[sflag:s2] =	ssyncadd.s32 $0xFFFFE000  }
0x128: {  	_ =	swait.ge [sflag:s2], $0x2000  }
0x129: {  	[sflag:s2] =	ssyncset.done $0x0  }
0x12a: {  	[sflag:s2] =	ssyncadd.s32 $0xFFFFE000  }
0x12b: {  	_ =	swait.ge [sflag:s2], $0x2000  }
0x12c: {  	[sflag:s2] =	ssyncset.done $0x0  }
0x12d: {  	[sflag:s2] =	ssyncadd.s32 $0xFFFFE000  }
0x12e: {  	_ =	swait.ge [sflag:s2], $0x2000  }
0x12f: {  	[sflag:s2] =	ssyncset.done $0x0  }
0x130: {  	[sflag:s2] =	ssyncadd.s32 $0xFFFFE000  }
0x131: {  	_ =	swait.ge [sflag:s2], $0x2000  }
0x132: {  	[sflag:s2] =	ssyncset.done $0x0  }
0x133: {  	[sflag:s2] =	ssyncadd.s32 $0xFFFFE000  }
0x134: {  	_ =	swait.ge [sflag:s2], $0x2000  }
0x135: {  	[sflag:s2] =	ssyncset.done $0x0  }
0x136: {  	[sflag:s2] =	ssyncadd.s32 $0xFFFFE000  }
0x137: {  	_ =	swait.ge [sflag:s2], $0x2000  }
0x138: {  	[sflag:s2] =	ssyncset.done $0x0  }
0x139: {  	[sflag:s2] =	ssyncadd.s32 $0xFFFFE000  }
0x13a: {  	_ =	swait.ge [sflag:s2], $0x2000  }
0x13b: {  	[sflag:s2] =	ssyncset.done $0x0  }
0x13c: {  	[sflag:s2] =	ssyncadd.s32 $0xFFFFE000  }
0x13d: {  	_ =	swait.ge [sflag:s2], $0x2000  }
0x13e: {  	[sflag:s2] =	ssyncset.done $0x0  }
0x13f: {  	[sflag:s2] =	ssyncadd.s32 $0xFFFFE000  }
0x140: {  	_ =	swait.ge [sflag:s2], $0x2000  }
0x141: {  	[sflag:s2] =	ssyncset.done $0x0  }
0x142: {  	[sflag:s2] =	ssyncadd.s32 $0xFFFFE000  }
0x143: {  	_ =	swait.ge [sflag:s2], $0x2000  }
0x144: {  	[sflag:s2] =	ssyncset.done $0x0  }
0x145: {  	[sflag:s2] =	ssyncadd.s32 $0xFFFFE000  }
0x146: {  	_ =	swait.ge [sflag:s2], $0x2000  }
0x147: {  	[sflag:s2] =	ssyncset.done $0x0  }
0x148: {  	[sflag:s2] =	ssyncadd.s32 $0xFFFFE000  }
0x149: {  	_ =	swait.ge [sflag:s2], $0x2000  }
0x14a: {  	[sflag:s2] =	ssyncset.done $0x0  }
0x14b: {  	[sflag:s2] =	ssyncadd.s32 $0xFFFFE000  }
0x14c: {  	_ =	swait.ge [sflag:s2], $0x2000  }
0x14d: {  	[sflag:s2] =	ssyncset.done $0x0  }
0x14e: {  	[sflag:s2] =	ssyncadd.s32 $0xFFFFE000  }
0x14f: {  	_ =	swait.ge [sflag:s2], $0x2000  }
0x150: {  	[sflag:s2] =	ssyncset.done $0x0  }
0x151: {  	[sflag:s2] =	ssyncadd.s32 $0xFFFFE000  }
0x152: {  	_ =	swait.ge [sflag:s2], $0x2000  }
0x153: {  	[sflag:s2] =	ssyncset.done $0x0  }
0x154: {  	[sflag:s2] =	ssyncadd.s32 $0xFFFFE000  }
0x155: {  	_ =	sfence.sel $0x180000  }
0x156: {  	[bflag:$0x0] =	sbarrier.arrive $0xFFFF  }
0x157: {  	p0 =	sne.s32 s1, $0x0;
	_ =	strace $0x90000047  }
0x158: {  	s0 =	sadd.s32 @!p0 $0x100000, s0;
	[bflag:$0x2] =	sbarrier.arrive $0xFFFF  }
0x159: {  	[sflag:s0] =	ssyncadd.tile.s32 @!p0 $0x1;
	_ =	shalt  }
.Lfunc_end2:
_tile_overlayer_lowered:
.L_overlay_start_2:
0x15a: {  	(tag) =	ssettag $0x2  }
0x15b: {  	s0 =	rddreg [dreg:$0x0];
	s2 =	stileid.u32  }
0x15c: {  	s1 =	rddreg [dreg:$0x1];
	p0 =	sne.s32 s2, $0x0  }
0x15d: {  	s3 =	rddreg [dreg:$0x2];
	[bflag:$0x3] =	sbarrier.arrive $0xFFFF;
	s2 =	simm.s32 @!p0 $0x1C02  }
0x15e: {  	[timem:s3], [sflag:s2] =	dma.local @!p0 [hbm:s0], s1  }
0x15f: {  	s0 =	simm.s32 @!p0 $0x2  }
0x160: {  	_ =	swait.ge @!p0 [sflag:s0], s1  }
0x161: {  	s1 =	ssub.s32 @!p0 $0x0, s1;
	[sflag:s0] =	ssyncset.done @!p0 $0x0  }
0x162: {  	[sflag:s0] =	ssyncadd.s32 @!p0 s1  }
0x163: {  	[bflag:$0x3] =	sbarrier.arrive $0xFFFF  }
0x164: {  	_ =	shalt  }

</sc_bundles>
